<compile_context>
chip_gen: v7x
topology: tpu7x:2x2x1
jax: 0.10.2.dev20260603
libtpu: 0.0.44.dev20260713+nightly
codegen_flags: <defaults>
</compile_context>

<pallas_src>
import functools

import jax
import jax.numpy as jnp
from jax import lax
from jax.experimental import pallas as pl
from jax.experimental.pallas import tpu as pltpu
from jax.experimental.pallas import tpu_sc as plsc

D_NUM = 64
D_EMB = 128
D_OUT = D_NUM + 3 * D_EMB
NB = 2


@functools.lru_cache(maxsize=None)
def _make_kernel(B: int, L: int):
    info = plsc.get_sparse_core_info()
    NC, NS = info.num_cores, info.num_subcores
    NW = NC * NS
    assert B % (NW * NB) == 0
    per_w = B // NW
    n_iter = per_w // NB

    mesh = plsc.VectorSubcoreMesh(core_axis_name="c", subcore_axis_name="s")

    @functools.partial(
        pl.kernel,
        mesh=mesh,
        out_type=jax.ShapeDtypeStruct((B, L, D_OUT), jnp.float32),
        scratch_types=[
            pltpu.VMEM((NB, 128), jnp.int32),
            pltpu.VMEM((NB, 128), jnp.int32),
            pltpu.VMEM((NB, 128), jnp.int32),
            pltpu.VMEM((NB, L, D_EMB), jnp.float32),
            pltpu.VMEM((NB, L, D_EMB), jnp.float32),
            pltpu.VMEM((NB, L, D_EMB), jnp.float32),
            pltpu.VMEM((NB, L, D_EMB), jnp.float32),
            pltpu.VMEM((NB, L, D_EMB), jnp.float32),
            pltpu.VMEM((NB, L, D_EMB), jnp.float32),
            pltpu.VMEM((NB, L, D_NUM), jnp.float32),
            pltpu.SemaphoreType.DMA,
        ],
    )
    def k(numeric, wp_id, gl_id, ac_id, w_wp, w_gl, w_ac, out,
          wi, gi, ai, wpv, glv, acv, p0, p1, p2, p3, sem):
        wid = lax.axis_index("s") * NC + lax.axis_index("c")
        w_base = wid * per_w
        lidx = pl.ds(0, L)

        def body(i, carry):
            b0 = w_base + i * NB
            pltpu.sync_copy(wp_id.at[pl.ds(b0, NB), :], wi)
            pltpu.sync_copy(gl_id.at[pl.ds(b0, NB), :], gi)
            pltpu.sync_copy(ac_id.at[pl.ds(b0, NB), :], ai)
            cps = [pltpu.async_copy(numeric.at[pl.ds(b0, NB), :, :], p0, sem)]
            for j in range(NB):
                cps += [
                    pltpu.async_copy(w_wp.at[wi.at[j, lidx]], wpv.at[j], sem),
                    pltpu.async_copy(w_gl.at[gi.at[j, lidx]], glv.at[j], sem),
                    pltpu.async_copy(w_ac.at[ai.at[j, lidx]], acv.at[j], sem),
                ]
            for c in cps:
                c.wait()

            def shuffle(l, carry2):
                for j in range(NB):
                    for v in range(4):
                        s = pl.ds(16 * v, 16)
                        d = pl.ds(D_NUM + 16 * v, 16)
                        p0[j, l, d] = wpv[j, l, s]
                        p1[j, l, s] = wpv[j, l, d]
                        p1[j, l, d] = glv[j, l, s]
                        p2[j, l, s] = glv[j, l, d]
                        p2[j, l, d] = acv[j, l, s]
                        p3[j, l, s] = acv[j, l, d]
                return carry2

            lax.fori_loop(0, L, shuffle, 0)
            rows = pl.ds(b0, NB)
            pltpu.sync_copy(p0, out.at[rows, :, pl.ds(0, 128)])
            pltpu.sync_copy(p1, out.at[rows, :, pl.ds(128, 128)])
            pltpu.sync_copy(p2, out.at[rows, :, pl.ds(256, 128)])
            pltpu.sync_copy(p3, out.at[rows, :, pl.ds(384, 64)])
            return carry

        lax.fori_loop(0, n_iter, body, 0)

    return k


def kernel(numeric, waypoint_id, final_goal_id, action_id, W_wp, W_gl, W_ac):
    B, L, d_num = numeric.shape
    wi = jnp.pad(waypoint_id.astype(jnp.int32), ((0, 0), (0, 128 - L)))
    gi = jnp.pad(final_goal_id.astype(jnp.int32), ((0, 0), (0, 128 - L)))
    ai = jnp.pad(action_id.astype(jnp.int32), ((0, 0), (0, 128 - L)))
    num_p = jnp.pad(numeric, ((0, 0), (0, 0), (0, D_EMB - d_num)))
    return _make_kernel(B, L)(num_p, wi, gi, ai, W_wp, W_gl, W_ac)

# --- scband reference (transcript-rebuilt; emitter-appended) ---
"""Pipeline reference for scband-feature-embedder-72670846648857 (READ-ONLY COPY).

The authoritative reference and input builder live on the scoring server;
editing this copy changes nothing except your own understanding.
"""

import jax, jax.numpy as jnp
import numpy as np

B, L = 16384, 50
D_NUM = 64
D_EMB = 128
N_WP, N_GL, N_AC = 100000, 1000, 1000

def _table(key, n, d):
    t = jax.random.normal(key, (n, d), dtype=jnp.float32)
    return t.at[0].set(0.0)  # padding_idx=0

def setup_inputs(seed: int = 0) -> dict:
    key = jax.random.key(seed)
    k1, k2, k3, k4, k5, k6, k7 = jax.random.split(key, 7)
    numeric = jax.random.normal(k1, (B, L, D_NUM), dtype=jnp.float32)
    waypoint_id = jax.random.randint(k2, (B, L), 0, N_WP, dtype=jnp.int64)
    final_goal_id = jax.random.randint(k3, (B, L), 0, N_GL, dtype=jnp.int64)
    action_id = jax.random.randint(k4, (B, L), 0, N_AC, dtype=jnp.int64)
    W_wp = _table(k5, N_WP, D_EMB)
    W_gl = _table(k6, N_GL, D_EMB)
    W_ac = _table(k7, N_AC, D_EMB)
    return {"numeric": numeric, "waypoint_id": waypoint_id, "final_goal_id": final_goal_id,
            "action_id": action_id, "W_wp": W_wp, "W_gl": W_gl, "W_ac": W_ac}

def reference(numeric, waypoint_id, final_goal_id, action_id, W_wp, W_gl, W_ac):
    wp = jnp.take(W_wp, waypoint_id, axis=0)
    gl = jnp.take(W_gl, final_goal_id, axis=0)
    ac = jnp.take(W_ac, action_id, axis=0)
    return jnp.concatenate([numeric, wp, gl, ac], axis=-1)

if __name__ == "__main__":
    import jax
    _d = setup_inputs()
    print(jax.jit(kernel)(*tuple(_d.values())))

</pallas_src>

<mosaic_0001>
#map = affine_map<(d0, d1) -> (0, 0, 0)>
#map1 = affine_map<(d0, d1) -> (0, 0)>
module attributes {stable_mosaic.version = 14 : i64} {
  func.func @k(%arg0: i32, %arg1: i32, %arg2: memref<16384x50x128xf32, #tpu.memory_space<hbm>>, %arg3: memref<16384x128xi32, #tpu.memory_space<hbm>>, %arg4: memref<16384x128xi32, #tpu.memory_space<hbm>>, %arg5: memref<16384x128xi32, #tpu.memory_space<hbm>>, %arg6: memref<100000x128xf32, #tpu.memory_space<hbm>>, %arg7: memref<1000x128xf32, #tpu.memory_space<hbm>>, %arg8: memref<1000x128xf32, #tpu.memory_space<hbm>>, %arg9: memref<16384x50x448xf32, #tpu.memory_space<hbm>>, %arg10: memref<2x128xi32, #tpu.memory_space<vmem>>, %arg11: memref<2x128xi32, #tpu.memory_space<vmem>>, %arg12: memref<2x128xi32, #tpu.memory_space<vmem>>, %arg13: memref<2x50x128xf32, #tpu.memory_space<vmem>>, %arg14: memref<2x50x128xf32, #tpu.memory_space<vmem>>, %arg15: memref<2x50x128xf32, #tpu.memory_space<vmem>>, %arg16: memref<2x50x128xf32, #tpu.memory_space<vmem>>, %arg17: memref<2x50x128xf32, #tpu.memory_space<vmem>>, %arg18: memref<2x50x128xf32, #tpu.memory_space<vmem>>, %arg19: memref<2x50x64xf32, #tpu.memory_space<vmem>>, %arg20: memref<!tpu.dma_semaphore, #tpu.memory_space<semaphore_mem>>) attributes {dimension_semantics = [#tpu.dimension_semantics<core_parallel>, #tpu.dimension_semantics<subcore_parallel>], iteration_bounds = array<i64: 2, 16>, scalar_prefetch = 0 : i64, scratch_operands = 11 : i64, tpu.core_type = #tpu.core_type<sc_vector_subcore>, window_params = [{transform_indices = #map}, {transform_indices = #map1}, {transform_indices = #map1}, {transform_indices = #map1}, {transform_indices = #map1}, {transform_indices = #map1}, {transform_indices = #map1}, {transform_indices = #map}]} {
    %mul3A = arith.constant 2 : i32
    %mul3A_0 = arith.muli %arg1, %mul3A : i32
    %add3A = arith.addi %mul3A_0, %arg0 : i32
    %mul3A_1 = arith.constant 512 : i32
    %mul3A_2 = arith.muli %add3A, %mul3A_1 : i32
    %scan3A = arith.constant 0 : i32
    %scan3A_3 = arith.constant 0 : i32
    %scan3A_4 = arith.constant 256 : i32
    %scan3A_5 = arith.addi %scan3A_3, %scan3A_4 : i32
    %scan3A_6 = arith.constant 1 : i32
    scf.for %scan3A_8 = %scan3A_3 to %scan3A_5 step %scan3A_6  : i32 {
      %mul3A_9 = arith.constant 2 : i32
      %mul3A_10 = arith.muli %scan3A_8, %mul3A_9 : i32
      %add3A_11 = arith.addi %mul3A_2, %mul3A_10 : i32
      "tpu.region"() ({
        %run_scoped3A = tpu.sem_alloc : memref<!tpu.dma_semaphore, #tpu.memory_space<semaphore_mem>>
        %dma_start3A_172 = arith.constant 0 : i32
        %dma_start3A_173 = tpu.memref_slice %arg3[%add3A_11, %dma_start3A_172] : memref<16384x128xi32, #tpu.memory_space<hbm>> -> memref<2x128xi32, #tpu.memory_space<hbm>>
        %dma_start3A_174 = arith.constant 0 : i32
        %dma_start3A_175 = tpu.memref_slice %arg3[%add3A_11, %dma_start3A_174] : memref<16384x128xi32, #tpu.memory_space<hbm>> -> memref<2x128xi32, #tpu.memory_space<hbm>>
        tpu.enqueue_dma source(%dma_start3A_175 : memref<2x128xi32, #tpu.memory_space<hbm>>) target(%arg10 : memref<2x128xi32, #tpu.memory_space<vmem>>) target_semaphore(%run_scoped3A : memref<!tpu.dma_semaphore, #tpu.memory_space<semaphore_mem>>)
        %dma_wait3A_176 = arith.constant 0 : i32
        %dma_wait3A_177 = tpu.memref_slice %arg3[%add3A_11, %dma_wait3A_176] : memref<16384x128xi32, #tpu.memory_space<hbm>> -> memref<2x128xi32, #tpu.memory_space<hbm>>
        %dma_wait3A_178 = arith.constant 0 : i32
        %dma_wait3A_179 = tpu.memref_slice %arg3[%add3A_11, %dma_wait3A_178] : memref<16384x128xi32, #tpu.memory_space<hbm>> -> memref<2x128xi32, #tpu.memory_space<hbm>>
        tpu.wait_dma2 semaphore(%run_scoped3A : memref<!tpu.dma_semaphore, #tpu.memory_space<semaphore_mem>>) src(%dma_wait3A_179 : memref<2x128xi32, #tpu.memory_space<hbm>>) dst(%arg10 : memref<2x128xi32, #tpu.memory_space<vmem>>)
        tpu.yield
      }) : () -> ()
      "tpu.region"() ({
        %run_scoped3A = tpu.sem_alloc : memref<!tpu.dma_semaphore, #tpu.memory_space<semaphore_mem>>
        %dma_start3A_172 = arith.constant 0 : i32
        %dma_start3A_173 = tpu.memref_slice %arg4[%add3A_11, %dma_start3A_172] : memref<16384x128xi32, #tpu.memory_space<hbm>> -> memref<2x128xi32, #tpu.memory_space<hbm>>
        %dma_start3A_174 = arith.constant 0 : i32
        %dma_start3A_175 = tpu.memref_slice %arg4[%add3A_11, %dma_start3A_174] : memref<16384x128xi32, #tpu.memory_space<hbm>> -> memref<2x128xi32, #tpu.memory_space<hbm>>
        tpu.enqueue_dma source(%dma_start3A_175 : memref<2x128xi32, #tpu.memory_space<hbm>>) target(%arg11 : memref<2x128xi32, #tpu.memory_space<vmem>>) target_semaphore(%run_scoped3A : memref<!tpu.dma_semaphore, #tpu.memory_space<semaphore_mem>>)
        %dma_wait3A_176 = arith.constant 0 : i32
        %dma_wait3A_177 = tpu.memref_slice %arg4[%add3A_11, %dma_wait3A_176] : memref<16384x128xi32, #tpu.memory_space<hbm>> -> memref<2x128xi32, #tpu.memory_space<hbm>>
        %dma_wait3A_178 = arith.constant 0 : i32
        %dma_wait3A_179 = tpu.memref_slice %arg4[%add3A_11, %dma_wait3A_178] : memref<16384x128xi32, #tpu.memory_space<hbm>> -> memref<2x128xi32, #tpu.memory_space<hbm>>
        tpu.wait_dma2 semaphore(%run_scoped3A : memref<!tpu.dma_semaphore, #tpu.memory_space<semaphore_mem>>) src(%dma_wait3A_179 : memref<2x128xi32, #tpu.memory_space<hbm>>) dst(%arg11 : memref<2x128xi32, #tpu.memory_space<vmem>>)
        tpu.yield
      }) : () -> ()
      "tpu.region"() ({
        %run_scoped3A = tpu.sem_alloc : memref<!tpu.dma_semaphore, #tpu.memory_space<semaphore_mem>>
        %dma_start3A_172 = arith.constant 0 : i32
        %dma_start3A_173 = tpu.memref_slice %arg5[%add3A_11, %dma_start3A_172] : memref<16384x128xi32, #tpu.memory_space<hbm>> -> memref<2x128xi32, #tpu.memory_space<hbm>>
        %dma_start3A_174 = arith.constant 0 : i32
        %dma_start3A_175 = tpu.memref_slice %arg5[%add3A_11, %dma_start3A_174] : memref<16384x128xi32, #tpu.memory_space<hbm>> -> memref<2x128xi32, #tpu.memory_space<hbm>>
        tpu.enqueue_dma source(%dma_start3A_175 : memref<2x128xi32, #tpu.memory_space<hbm>>) target(%arg12 : memref<2x128xi32, #tpu.memory_space<vmem>>) target_semaphore(%run_scoped3A : memref<!tpu.dma_semaphore, #tpu.memory_space<semaphore_mem>>)
        %dma_wait3A_176 = arith.constant 0 : i32
        %dma_wait3A_177 = tpu.memref_slice %arg5[%add3A_11, %dma_wait3A_176] : memref<16384x128xi32, #tpu.memory_space<hbm>> -> memref<2x128xi32, #tpu.memory_space<hbm>>
        %dma_wait3A_178 = arith.constant 0 : i32
        %dma_wait3A_179 = tpu.memref_slice %arg5[%add3A_11, %dma_wait3A_178] : memref<16384x128xi32, #tpu.memory_space<hbm>> -> memref<2x128xi32, #tpu.memory_space<hbm>>
        tpu.wait_dma2 semaphore(%run_scoped3A : memref<!tpu.dma_semaphore, #tpu.memory_space<semaphore_mem>>) src(%dma_wait3A_179 : memref<2x128xi32, #tpu.memory_space<hbm>>) dst(%arg12 : memref<2x128xi32, #tpu.memory_space<vmem>>)
        tpu.yield
      }) : () -> ()
      %dma_start3A = arith.constant 0 : i32
      %dma_start3A_12 = arith.constant 0 : i32
      %dma_start3A_13 = tpu.memref_slice %arg2[%add3A_11, %dma_start3A, %dma_start3A_12] : memref<16384x50x128xf32, #tpu.memory_space<hbm>> -> memref<2x50x128xf32, #tpu.memory_space<hbm>>
      %dma_start3A_14 = arith.constant 0 : i32
      %dma_start3A_15 = arith.constant 0 : i32
      %dma_start3A_16 = tpu.memref_slice %arg2[%add3A_11, %dma_start3A_14, %dma_start3A_15] : memref<16384x50x128xf32, #tpu.memory_space<hbm>> -> memref<2x50x128xf32, #tpu.memory_space<hbm>>
      tpu.enqueue_dma source(%dma_start3A_16 : memref<2x50x128xf32, #tpu.memory_space<hbm>>) target(%arg16 : memref<2x50x128xf32, #tpu.memory_space<vmem>>) target_semaphore(%arg20 : memref<!tpu.dma_semaphore, #tpu.memory_space<semaphore_mem>>)
      %dma_start3A_17 = arith.constant 0 : i32
      %dma_start3A_18 = arith.constant 0 : i32
      %dma_start3A_19 = arith.constant 0 : i32
      %dma_start3A_20 = arith.constant 0 : i32
      %dma_start3A_21 = tpu.memref_slice %arg13[%dma_start3A_18, %dma_start3A_19, %dma_start3A_20] : memref<2x50x128xf32, #tpu.memory_space<vmem>> -> memref<1x50x128xf32, #tpu.memory_space<vmem>>
      %dma_start3A_22 = tpu.memref_squeeze %dma_start3A_21 : memref<1x50x128xf32, #tpu.memory_space<vmem>> -> memref<50x128xf32, #tpu.memory_space<vmem>>
      %dma_start3A_23 = arith.constant 0 : i32
      %dma_start3A_24 = tpu.memref_slice %arg10[%dma_start3A_17, %dma_start3A_23] : memref<2x128xi32, #tpu.memory_space<vmem>> -> memref<1x50xi32, #tpu.memory_space<vmem>>
      %dma_start3A_25 = tpu.memref_squeeze %dma_start3A_24 : memref<1x50xi32, #tpu.memory_space<vmem>> -> memref<50xi32, #tpu.memory_space<vmem>>
      %dma_start3A_26 = arith.constant 0 : i32
      %dma_start3A_27 = arith.constant 0 : i32
      %dma_start3A_28 = tpu.memref_slice %arg6[%dma_start3A_26, %dma_start3A_27] : memref<100000x128xf32, #tpu.memory_space<hbm>> -> memref<100000x128xf32, #tpu.memory_space<hbm>>
      tpu.enqueue_indirect_dma source(%dma_start3A_28 : memref<100000x128xf32, #tpu.memory_space<hbm>>) target(%dma_start3A_22 : memref<50x128xf32, #tpu.memory_space<vmem>>) offsets(%dma_start3A_25 : memref<50xi32, #tpu.memory_space<vmem>>) semaphore(%arg20 : memref<!tpu.dma_semaphore, #tpu.memory_space<semaphore_mem>>)
      %dma_start3A_29 = arith.constant 0 : i32
      %dma_start3A_30 = arith.constant 0 : i32
      %dma_start3A_31 = arith.constant 0 : i32
      %dma_start3A_32 = arith.constant 0 : i32
      %dma_start3A_33 = tpu.memref_slice %arg14[%dma_start3A_30, %dma_start3A_31, %dma_start3A_32] : memref<2x50x128xf32, #tpu.memory_space<vmem>> -> memref<1x50x128xf32, #tpu.memory_space<vmem>>
      %dma_start3A_34 = tpu.memref_squeeze %dma_start3A_33 : memref<1x50x128xf32, #tpu.memory_space<vmem>> -> memref<50x128xf32, #tpu.memory_space<vmem>>
      %dma_start3A_35 = arith.constant 0 : i32
      %dma_start3A_36 = tpu.memref_slice %arg11[%dma_start3A_29, %dma_start3A_35] : memref<2x128xi32, #tpu.memory_space<vmem>> -> memref<1x50xi32, #tpu.memory_space<vmem>>
      %dma_start3A_37 = tpu.memref_squeeze %dma_start3A_36 : memref<1x50xi32, #tpu.memory_space<vmem>> -> memref<50xi32, #tpu.memory_space<vmem>>
      %dma_start3A_38 = arith.constant 0 : i32
      %dma_start3A_39 = arith.constant 0 : i32
      %dma_start3A_40 = tpu.memref_slice %arg7[%dma_start3A_38, %dma_start3A_39] : memref<1000x128xf32, #tpu.memory_space<hbm>> -> memref<1000x128xf32, #tpu.memory_space<hbm>>
      tpu.enqueue_indirect_dma source(%dma_start3A_40 : memref<1000x128xf32, #tpu.memory_space<hbm>>) target(%dma_start3A_34 : memref<50x128xf32, #tpu.memory_space<vmem>>) offsets(%dma_start3A_37 : memref<50xi32, #tpu.memory_space<vmem>>) semaphore(%arg20 : memref<!tpu.dma_semaphore, #tpu.memory_space<semaphore_mem>>)
      %dma_start3A_41 = arith.constant 0 : i32
      %dma_start3A_42 = arith.constant 0 : i32
      %dma_start3A_43 = arith.constant 0 : i32
      %dma_start3A_44 = arith.constant 0 : i32
      %dma_start3A_45 = tpu.memref_slice %arg15[%dma_start3A_42, %dma_start3A_43, %dma_start3A_44] : memref<2x50x128xf32, #tpu.memory_space<vmem>> -> memref<1x50x128xf32, #tpu.memory_space<vmem>>
      %dma_start3A_46 = tpu.memref_squeeze %dma_start3A_45 : memref<1x50x128xf32, #tpu.memory_space<vmem>> -> memref<50x128xf32, #tpu.memory_space<vmem>>
      %dma_start3A_47 = arith.constant 0 : i32
      %dma_start3A_48 = tpu.memref_slice %arg12[%dma_start3A_41, %dma_start3A_47] : memref<2x128xi32, #tpu.memory_space<vmem>> -> memref<1x50xi32, #tpu.memory_space<vmem>>
      %dma_start3A_49 = tpu.memref_squeeze %dma_start3A_48 : memref<1x50xi32, #tpu.memory_space<vmem>> -> memref<50xi32, #tpu.memory_space<vmem>>
      %dma_start3A_50 = arith.constant 0 : i32
      %dma_start3A_51 = arith.constant 0 : i32
      %dma_start3A_52 = tpu.memref_slice %arg8[%dma_start3A_50, %dma_start3A_51] : memref<1000x128xf32, #tpu.memory_space<hbm>> -> memref<1000x128xf32, #tpu.memory_space<hbm>>
      tpu.enqueue_indirect_dma source(%dma_start3A_52 : memref<1000x128xf32, #tpu.memory_space<hbm>>) target(%dma_start3A_46 : memref<50x128xf32, #tpu.memory_space<vmem>>) offsets(%dma_start3A_49 : memref<50xi32, #tpu.memory_space<vmem>>) semaphore(%arg20 : memref<!tpu.dma_semaphore, #tpu.memory_space<semaphore_mem>>)
      %dma_start3A_53 = arith.constant 1 : i32
      %dma_start3A_54 = arith.constant 1 : i32
      %dma_start3A_55 = arith.constant 0 : i32
      %dma_start3A_56 = arith.constant 0 : i32
      %dma_start3A_57 = tpu.memref_slice %arg13[%dma_start3A_54, %dma_start3A_55, %dma_start3A_56] : memref<2x50x128xf32, #tpu.memory_space<vmem>> -> memref<1x50x128xf32, #tpu.memory_space<vmem>>
      %dma_start3A_58 = tpu.memref_squeeze %dma_start3A_57 : memref<1x50x128xf32, #tpu.memory_space<vmem>> -> memref<50x128xf32, #tpu.memory_space<vmem>>
      %dma_start3A_59 = arith.constant 0 : i32
      %dma_start3A_60 = tpu.memref_slice %arg10[%dma_start3A_53, %dma_start3A_59] : memref<2x128xi32, #tpu.memory_space<vmem>> -> memref<1x50xi32, #tpu.memory_space<vmem>>
      %dma_start3A_61 = tpu.memref_squeeze %dma_start3A_60 : memref<1x50xi32, #tpu.memory_space<vmem>> -> memref<50xi32, #tpu.memory_space<vmem>>
      %dma_start3A_62 = arith.constant 0 : i32
      %dma_start3A_63 = arith.constant 0 : i32
      %dma_start3A_64 = tpu.memref_slice %arg6[%dma_start3A_62, %dma_start3A_63] : memref<100000x128xf32, #tpu.memory_space<hbm>> -> memref<100000x128xf32, #tpu.memory_space<hbm>>
      tpu.enqueue_indirect_dma source(%dma_start3A_64 : memref<100000x128xf32, #tpu.memory_space<hbm>>) target(%dma_start3A_58 : memref<50x128xf32, #tpu.memory_space<vmem>>) offsets(%dma_start3A_61 : memref<50xi32, #tpu.memory_space<vmem>>) semaphore(%arg20 : memref<!tpu.dma_semaphore, #tpu.memory_space<semaphore_mem>>)
      %dma_start3A_65 = arith.constant 1 : i32
      %dma_start3A_66 = arith.constant 1 : i32
      %dma_start3A_67 = arith.constant 0 : i32
      %dma_start3A_68 = arith.constant 0 : i32
      %dma_start3A_69 = tpu.memref_slice %arg14[%dma_start3A_66, %dma_start3A_67, %dma_start3A_68] : memref<2x50x128xf32, #tpu.memory_space<vmem>> -> memref<1x50x128xf32, #tpu.memory_space<vmem>>
      %dma_start3A_70 = tpu.memref_squeeze %dma_start3A_69 : memref<1x50x128xf32, #tpu.memory_space<vmem>> -> memref<50x128xf32, #tpu.memory_space<vmem>>
      %dma_start3A_71 = arith.constant 0 : i32
      %dma_start3A_72 = tpu.memref_slice %arg11[%dma_start3A_65, %dma_start3A_71] : memref<2x128xi32, #tpu.memory_space<vmem>> -> memref<1x50xi32, #tpu.memory_space<vmem>>
      %dma_start3A_73 = tpu.memref_squeeze %dma_start3A_72 : memref<1x50xi32, #tpu.memory_space<vmem>> -> memref<50xi32, #tpu.memory_space<vmem>>
      %dma_start3A_74 = arith.constant 0 : i32
      %dma_start3A_75 = arith.constant 0 : i32
      %dma_start3A_76 = tpu.memref_slice %arg7[%dma_start3A_74, %dma_start3A_75] : memref<1000x128xf32, #tpu.memory_space<hbm>> -> memref<1000x128xf32, #tpu.memory_space<hbm>>
      tpu.enqueue_indirect_dma source(%dma_start3A_76 : memref<1000x128xf32, #tpu.memory_space<hbm>>) target(%dma_start3A_70 : memref<50x128xf32, #tpu.memory_space<vmem>>) offsets(%dma_start3A_73 : memref<50xi32, #tpu.memory_space<vmem>>) semaphore(%arg20 : memref<!tpu.dma_semaphore, #tpu.memory_space<semaphore_mem>>)
      %dma_start3A_77 = arith.constant 1 : i32
      %dma_start3A_78 = arith.constant 1 : i32
      %dma_start3A_79 = arith.constant 0 : i32
      %dma_start3A_80 = arith.constant 0 : i32
      %dma_start3A_81 = tpu.memref_slice %arg15[%dma_start3A_78, %dma_start3A_79, %dma_start3A_80] : memref<2x50x128xf32, #tpu.memory_space<vmem>> -> memref<1x50x128xf32, #tpu.memory_space<vmem>>
      %dma_start3A_82 = tpu.memref_squeeze %dma_start3A_81 : memref<1x50x128xf32, #tpu.memory_space<vmem>> -> memref<50x128xf32, #tpu.memory_space<vmem>>
      %dma_start3A_83 = arith.constant 0 : i32
      %dma_start3A_84 = tpu.memref_slice %arg12[%dma_start3A_77, %dma_start3A_83] : memref<2x128xi32, #tpu.memory_space<vmem>> -> memref<1x50xi32, #tpu.memory_space<vmem>>
      %dma_start3A_85 = tpu.memref_squeeze %dma_start3A_84 : memref<1x50xi32, #tpu.memory_space<vmem>> -> memref<50xi32, #tpu.memory_space<vmem>>
      %dma_start3A_86 = arith.constant 0 : i32
      %dma_start3A_87 = arith.constant 0 : i32
      %dma_start3A_88 = tpu.memref_slice %arg8[%dma_start3A_86, %dma_start3A_87] : memref<1000x128xf32, #tpu.memory_space<hbm>> -> memref<1000x128xf32, #tpu.memory_space<hbm>>
      tpu.enqueue_indirect_dma source(%dma_start3A_88 : memref<1000x128xf32, #tpu.memory_space<hbm>>) target(%dma_start3A_82 : memref<50x128xf32, #tpu.memory_space<vmem>>) offsets(%dma_start3A_85 : memref<50xi32, #tpu.memory_space<vmem>>) semaphore(%arg20 : memref<!tpu.dma_semaphore, #tpu.memory_space<semaphore_mem>>)
      %dma_wait3A = arith.constant 0 : i32
      %dma_wait3A_89 = arith.constant 0 : i32
      %dma_wait3A_90 = tpu.memref_slice %arg2[%add3A_11, %dma_wait3A, %dma_wait3A_89] : memref<16384x50x128xf32, #tpu.memory_space<hbm>> -> memref<2x50x128xf32, #tpu.memory_space<hbm>>
      %dma_wait3A_91 = arith.constant 0 : i32
      %dma_wait3A_92 = arith.constant 0 : i32
      %dma_wait3A_93 = tpu.memref_slice %arg2[%add3A_11, %dma_wait3A_91, %dma_wait3A_92] : memref<16384x50x128xf32, #tpu.memory_space<hbm>> -> memref<2x50x128xf32, #tpu.memory_space<hbm>>
      tpu.wait_dma2 semaphore(%arg20 : memref<!tpu.dma_semaphore, #tpu.memory_space<semaphore_mem>>) src(%dma_wait3A_93 : memref<2x50x128xf32, #tpu.memory_space<hbm>>) dst(%arg16 : memref<2x50x128xf32, #tpu.memory_space<vmem>>)
      %dma_wait3A_94 = arith.constant 0 : i32
      %dma_wait3A_95 = arith.constant 0 : i32
      %dma_wait3A_96 = arith.constant 0 : i32
      %dma_wait3A_97 = arith.constant 0 : i32
      %dma_wait3A_98 = tpu.memref_slice %arg13[%dma_wait3A_95, %dma_wait3A_96, %dma_wait3A_97] : memref<2x50x128xf32, #tpu.memory_space<vmem>> -> memref<1x50x128xf32, #tpu.memory_space<vmem>>
      %dma_wait3A_99 = tpu.memref_squeeze %dma_wait3A_98 : memref<1x50x128xf32, #tpu.memory_space<vmem>> -> memref<50x128xf32, #tpu.memory_space<vmem>>
      %dma_wait3A_100 = arith.constant 0 : i32
      %dma_wait3A_101 = tpu.memref_slice %arg10[%dma_wait3A_94, %dma_wait3A_100] : memref<2x128xi32, #tpu.memory_space<vmem>> -> memref<1x50xi32, #tpu.memory_space<vmem>>
      %dma_wait3A_102 = tpu.memref_squeeze %dma_wait3A_101 : memref<1x50xi32, #tpu.memory_space<vmem>> -> memref<50xi32, #tpu.memory_space<vmem>>
      %dma_wait3A_103 = arith.constant 0 : i32
      %dma_wait3A_104 = arith.constant 0 : i32
      %dma_wait3A_105 = tpu.memref_slice %arg6[%dma_wait3A_103, %dma_wait3A_104] : memref<100000x128xf32, #tpu.memory_space<hbm>> -> memref<100000x128xf32, #tpu.memory_space<hbm>>
      tpu.wait_indirect_dma semaphore(%arg20 : memref<!tpu.dma_semaphore, #tpu.memory_space<semaphore_mem>>) src(%dma_wait3A_105 : memref<100000x128xf32, #tpu.memory_space<hbm>>) dst(%dma_wait3A_99 : memref<50x128xf32, #tpu.memory_space<vmem>>)
      %dma_wait3A_106 = arith.constant 0 : i32
      %dma_wait3A_107 = arith.constant 0 : i32
      %dma_wait3A_108 = arith.constant 0 : i32
      %dma_wait3A_109 = arith.constant 0 : i32
      %dma_wait3A_110 = tpu.memref_slice %arg14[%dma_wait3A_107, %dma_wait3A_108, %dma_wait3A_109] : memref<2x50x128xf32, #tpu.memory_space<vmem>> -> memref<1x50x128xf32, #tpu.memory_space<vmem>>
      %dma_wait3A_111 = tpu.memref_squeeze %dma_wait3A_110 : memref<1x50x128xf32, #tpu.memory_space<vmem>> -> memref<50x128xf32, #tpu.memory_space<vmem>>
      %dma_wait3A_112 = arith.constant 0 : i32
      %dma_wait3A_113 = tpu.memref_slice %arg11[%dma_wait3A_106, %dma_wait3A_112] : memref<2x128xi32, #tpu.memory_space<vmem>> -> memref<1x50xi32, #tpu.memory_space<vmem>>
      %dma_wait3A_114 = tpu.memref_squeeze %dma_wait3A_113 : memref<1x50xi32, #tpu.memory_space<vmem>> -> memref<50xi32, #tpu.memory_space<vmem>>
      %dma_wait3A_115 = arith.constant 0 : i32
      %dma_wait3A_116 = arith.constant 0 : i32
      %dma_wait3A_117 = tpu.memref_slice %arg7[%dma_wait3A_115, %dma_wait3A_116] : memref<1000x128xf32, #tpu.memory_space<hbm>> -> memref<1000x128xf32, #tpu.memory_space<hbm>>
      tpu.wait_indirect_dma semaphore(%arg20 : memref<!tpu.dma_semaphore, #tpu.memory_space<semaphore_mem>>) src(%dma_wait3A_117 : memref<1000x128xf32, #tpu.memory_space<hbm>>) dst(%dma_wait3A_111 : memref<50x128xf32, #tpu.memory_space<vmem>>)
      %dma_wait3A_118 = arith.constant 0 : i32
      %dma_wait3A_119 = arith.constant 0 : i32
      %dma_wait3A_120 = arith.constant 0 : i32
      %dma_wait3A_121 = arith.constant 0 : i32
      %dma_wait3A_122 = tpu.memref_slice %arg15[%dma_wait3A_119, %dma_wait3A_120, %dma_wait3A_121] : memref<2x50x128xf32, #tpu.memory_space<vmem>> -> memref<1x50x128xf32, #tpu.memory_space<vmem>>
      %dma_wait3A_123 = tpu.memref_squeeze %dma_wait3A_122 : memref<1x50x128xf32, #tpu.memory_space<vmem>> -> memref<50x128xf32, #tpu.memory_space<vmem>>
      %dma_wait3A_124 = arith.constant 0 : i32
      %dma_wait3A_125 = tpu.memref_slice %arg12[%dma_wait3A_118, %dma_wait3A_124] : memref<2x128xi32, #tpu.memory_space<vmem>> -> memref<1x50xi32, #tpu.memory_space<vmem>>
      %dma_wait3A_126 = tpu.memref_squeeze %dma_wait3A_125 : memref<1x50xi32, #tpu.memory_space<vmem>> -> memref<50xi32, #tpu.memory_space<vmem>>
      %dma_wait3A_127 = arith.constant 0 : i32
      %dma_wait3A_128 = arith.constant 0 : i32
      %dma_wait3A_129 = tpu.memref_slice %arg8[%dma_wait3A_127, %dma_wait3A_128] : memref<1000x128xf32, #tpu.memory_space<hbm>> -> memref<1000x128xf32, #tpu.memory_space<hbm>>
      tpu.wait_indirect_dma semaphore(%arg20 : memref<!tpu.dma_semaphore, #tpu.memory_space<semaphore_mem>>) src(%dma_wait3A_129 : memref<1000x128xf32, #tpu.memory_space<hbm>>) dst(%dma_wait3A_123 : memref<50x128xf32, #tpu.memory_space<vmem>>)
      %dma_wait3A_130 = arith.constant 1 : i32
      %dma_wait3A_131 = arith.constant 1 : i32
      %dma_wait3A_132 = arith.constant 0 : i32
      %dma_wait3A_133 = arith.constant 0 : i32
      %dma_wait3A_134 = tpu.memref_slice %arg13[%dma_wait3A_131, %dma_wait3A_132, %dma_wait3A_133] : memref<2x50x128xf32, #tpu.memory_space<vmem>> -> memref<1x50x128xf32, #tpu.memory_space<vmem>>
      %dma_wait3A_135 = tpu.memref_squeeze %dma_wait3A_134 : memref<1x50x128xf32, #tpu.memory_space<vmem>> -> memref<50x128xf32, #tpu.memory_space<vmem>>
      %dma_wait3A_136 = arith.constant 0 : i32
      %dma_wait3A_137 = tpu.memref_slice %arg10[%dma_wait3A_130, %dma_wait3A_136] : memref<2x128xi32, #tpu.memory_space<vmem>> -> memref<1x50xi32, #tpu.memory_space<vmem>>
      %dma_wait3A_138 = tpu.memref_squeeze %dma_wait3A_137 : memref<1x50xi32, #tpu.memory_space<vmem>> -> memref<50xi32, #tpu.memory_space<vmem>>
      %dma_wait3A_139 = arith.constant 0 : i32
      %dma_wait3A_140 = arith.constant 0 : i32
      %dma_wait3A_141 = tpu.memref_slice %arg6[%dma_wait3A_139, %dma_wait3A_140] : memref<100000x128xf32, #tpu.memory_space<hbm>> -> memref<100000x128xf32, #tpu.memory_space<hbm>>
      tpu.wait_indirect_dma semaphore(%arg20 : memref<!tpu.dma_semaphore, #tpu.memory_space<semaphore_mem>>) src(%dma_wait3A_141 : memref<100000x128xf32, #tpu.memory_space<hbm>>) dst(%dma_wait3A_135 : memref<50x128xf32, #tpu.memory_space<vmem>>)
      %dma_wait3A_142 = arith.constant 1 : i32
      %dma_wait3A_143 = arith.constant 1 : i32
      %dma_wait3A_144 = arith.constant 0 : i32
      %dma_wait3A_145 = arith.constant 0 : i32
      %dma_wait3A_146 = tpu.memref_slice %arg14[%dma_wait3A_143, %dma_wait3A_144, %dma_wait3A_145] : memref<2x50x128xf32, #tpu.memory_space<vmem>> -> memref<1x50x128xf32, #tpu.memory_space<vmem>>
      %dma_wait3A_147 = tpu.memref_squeeze %dma_wait3A_146 : memref<1x50x128xf32, #tpu.memory_space<vmem>> -> memref<50x128xf32, #tpu.memory_space<vmem>>
      %dma_wait3A_148 = arith.constant 0 : i32
      %dma_wait3A_149 = tpu.memref_slice %arg11[%dma_wait3A_142, %dma_wait3A_148] : memref<2x128xi32, #tpu.memory_space<vmem>> -> memref<1x50xi32, #tpu.memory_space<vmem>>
      %dma_wait3A_150 = tpu.memref_squeeze %dma_wait3A_149 : memref<1x50xi32, #tpu.memory_space<vmem>> -> memref<50xi32, #tpu.memory_space<vmem>>
      %dma_wait3A_151 = arith.constant 0 : i32
      %dma_wait3A_152 = arith.constant 0 : i32
      %dma_wait3A_153 = tpu.memref_slice %arg7[%dma_wait3A_151, %dma_wait3A_152] : memref<1000x128xf32, #tpu.memory_space<hbm>> -> memref<1000x128xf32, #tpu.memory_space<hbm>>
      tpu.wait_indirect_dma semaphore(%arg20 : memref<!tpu.dma_semaphore, #tpu.memory_space<semaphore_mem>>) src(%dma_wait3A_153 : memref<1000x128xf32, #tpu.memory_space<hbm>>) dst(%dma_wait3A_147 : memref<50x128xf32, #tpu.memory_space<vmem>>)
      %dma_wait3A_154 = arith.constant 1 : i32
      %dma_wait3A_155 = arith.constant 1 : i32
      %dma_wait3A_156 = arith.constant 0 : i32
      %dma_wait3A_157 = arith.constant 0 : i32
      %dma_wait3A_158 = tpu.memref_slice %arg15[%dma_wait3A_155, %dma_wait3A_156, %dma_wait3A_157] : memref<2x50x128xf32, #tpu.memory_space<vmem>> -> memref<1x50x128xf32, #tpu.memory_space<vmem>>
      %dma_wait3A_159 = tpu.memref_squeeze %dma_wait3A_158 : memref<1x50x128xf32, #tpu.memory_space<vmem>> -> memref<50x128xf32, #tpu.memory_space<vmem>>
      %dma_wait3A_160 = arith.constant 0 : i32
      %dma_wait3A_161 = tpu.memref_slice %arg12[%dma_wait3A_154, %dma_wait3A_160] : memref<2x128xi32, #tpu.memory_space<vmem>> -> memref<1x50xi32, #tpu.memory_space<vmem>>
      %dma_wait3A_162 = tpu.memref_squeeze %dma_wait3A_161 : memref<1x50xi32, #tpu.memory_space<vmem>> -> memref<50xi32, #tpu.memory_space<vmem>>
      %dma_wait3A_163 = arith.constant 0 : i32
      %dma_wait3A_164 = arith.constant 0 : i32
      %dma_wait3A_165 = tpu.memref_slice %arg8[%dma_wait3A_163, %dma_wait3A_164] : memref<1000x128xf32, #tpu.memory_space<hbm>> -> memref<1000x128xf32, #tpu.memory_space<hbm>>
      tpu.wait_indirect_dma semaphore(%arg20 : memref<!tpu.dma_semaphore, #tpu.memory_space<semaphore_mem>>) src(%dma_wait3A_165 : memref<1000x128xf32, #tpu.memory_space<hbm>>) dst(%dma_wait3A_159 : memref<50x128xf32, #tpu.memory_space<vmem>>)
      %scan3A_166 = arith.constant 0 : i32
      %scan3A_167 = arith.constant 0 : i32
      %scan3A_168 = arith.constant 50 : i32
      %scan3A_169 = arith.addi %scan3A_167, %scan3A_168 : i32
      %scan3A_170 = arith.constant 1 : i32
      scf.for %scan3A_172 = %scan3A_167 to %scan3A_169 step %scan3A_170  : i32 {
        %get3A = arith.constant 0 : i32
        %get3A_173 = arith.index_cast %get3A : i32 to index
        %get3A_174 = arith.index_cast %scan3A_172 : i32 to index
        %get3A_175 = arith.constant 0 : index
        %get3A_176 = tpu.vector_load %arg13[%get3A_173, %get3A_174, %get3A_175] {strides = array<i32>} : memref<2x50x128xf32, #tpu.memory_space<vmem>>, vector<1x1x16xf32>,
        %get3A_177 = vector.shape_cast %get3A_176 : vector<1x1x16xf32> to vector<16xf32>
        %swap3A = arith.constant 0 : i32
        %swap3A_178 = arith.index_cast %swap3A : i32 to index
        %swap3A_179 = arith.index_cast %scan3A_172 : i32 to index
        %swap3A_180 = arith.constant 64 : index
        %swap3A_181 = tpu.vector_load %arg16[%swap3A_178, %swap3A_179, %swap3A_180] {strides = array<i32>} : memref<2x50x128xf32, #tpu.memory_space<vmem>>, vector<1x1x16xf32>,
        %swap3A_182 = vector.shape_cast %swap3A_181 : vector<1x1x16xf32> to vector<16xf32>
        %swap3A_183 = vector.shape_cast %get3A_177 : vector<16xf32> to vector<1x1x16xf32>
        tpu.vector_store %arg16[%swap3A_178, %swap3A_179, %swap3A_180], %swap3A_183 {strides = array<i32>} : memref<2x50x128xf32, #tpu.memory_space<vmem>>, vector<1x1x16xf32>,
        %get3A_184 = arith.constant 0 : i32
        %get3A_185 = arith.index_cast %get3A_184 : i32 to index
        %get3A_186 = arith.index_cast %scan3A_172 : i32 to index
        %get3A_187 = arith.constant 64 : index
        %get3A_188 = tpu.vector_load %arg13[%get3A_185, %get3A_186, %get3A_187] {strides = array<i32>} : memref<2x50x128xf32, #tpu.memory_space<vmem>>, vector<1x1x16xf32>,
        %get3A_189 = vector.shape_cast %get3A_188 : vector<1x1x16xf32> to vector<16xf32>
        %swap3A_190 = arith.constant 0 : i32
        %swap3A_191 = arith.index_cast %swap3A_190 : i32 to index
        %swap3A_192 = arith.index_cast %scan3A_172 : i32 to index
        %swap3A_193 = arith.constant 0 : index
        %swap3A_194 = tpu.vector_load %arg17[%swap3A_191, %swap3A_192, %swap3A_193] {strides = array<i32>} : memref<2x50x128xf32, #tpu.memory_space<vmem>>, vector<1x1x16xf32>,
        %swap3A_195 = vector.shape_cast %swap3A_194 : vector<1x1x16xf32> to vector<16xf32>
        %swap3A_196 = vector.shape_cast %get3A_189 : vector<16xf32> to vector<1x1x16xf32>
        tpu.vector_store %arg17[%swap3A_191, %swap3A_192, %swap3A_193], %swap3A_196 {strides = array<i32>} : memref<2x50x128xf32, #tpu.memory_space<vmem>>, vector<1x1x16xf32>,
        %get3A_197 = arith.constant 0 : i32
        %get3A_198 = arith.index_cast %get3A_197 : i32 to index
        %get3A_199 = arith.index_cast %scan3A_172 : i32 to index
        %get3A_200 = arith.constant 0 : index
        %get3A_201 = tpu.vector_load %arg14[%get3A_198, %get3A_199, %get3A_200] {strides = array<i32>} : memref<2x50x128xf32, #tpu.memory_space<vmem>>, vector<1x1x16xf32>,
        %get3A_202 = vector.shape_cast %get3A_201 : vector<1x1x16xf32> to vector<16xf32>
        %swap3A_203 = arith.constant 0 : i32
        %swap3A_204 = arith.index_cast %swap3A_203 : i32 to index
        %swap3A_205 = arith.index_cast %scan3A_172 : i32 to index
        %swap3A_206 = arith.constant 64 : index
        %swap3A_207 = tpu.vector_load %arg17[%swap3A_204, %swap3A_205, %swap3A_206] {strides = array<i32>} : memref<2x50x128xf32, #tpu.memory_space<vmem>>, vector<1x1x16xf32>,
        %swap3A_208 = vector.shape_cast %swap3A_207 : vector<1x1x16xf32> to vector<16xf32>
        %swap3A_209 = vector.shape_cast %get3A_202 : vector<16xf32> to vector<1x1x16xf32>
        tpu.vector_store %arg17[%swap3A_204, %swap3A_205, %swap3A_206], %swap3A_209 {strides = array<i32>} : memref<2x50x128xf32, #tpu.memory_space<vmem>>, vector<1x1x16xf32>,
        %get3A_210 = arith.constant 0 : i32
        %get3A_211 = arith.index_cast %get3A_210 : i32 to index
        %get3A_212 = arith.index_cast %scan3A_172 : i32 to index
        %get3A_213 = arith.constant 64 : index
        %get3A_214 = tpu.vector_load %arg14[%get3A_211, %get3A_212, %get3A_213] {strides = array<i32>} : memref<2x50x128xf32, #tpu.memory_space<vmem>>, vector<1x1x16xf32>,
        %get3A_215 = vector.shape_cast %get3A_214 : vector<1x1x16xf32> to vector<16xf32>
        %swap3A_216 = arith.constant 0 : i32
        %swap3A_217 = arith.index_cast %swap3A_216 : i32 to index
        %swap3A_218 = arith.index_cast %scan3A_172 : i32 to index
        %swap3A_219 = arith.constant 0 : index
        %swap3A_220 = tpu.vector_load %arg18[%swap3A_217, %swap3A_218, %swap3A_219] {strides = array<i32>} : memref<2x50x128xf32, #tpu.memory_space<vmem>>, vector<1x1x16xf32>,
        %swap3A_221 = vector.shape_cast %swap3A_220 : vector<1x1x16xf32> to vector<16xf32>
        %swap3A_222 = vector.shape_cast %get3A_215 : vector<16xf32> to vector<1x1x16xf32>
        tpu.vector_store %arg18[%swap3A_217, %swap3A_218, %swap3A_219], %swap3A_222 {strides = array<i32>} : memref<2x50x128xf32, #tpu.memory_space<vmem>>, vector<1x1x16xf32>,
        %get3A_223 = arith.constant 0 : i32
        %get3A_224 = arith.index_cast %get3A_223 : i32 to index
        %get3A_225 = arith.index_cast %scan3A_172 : i32 to index
        %get3A_226 = arith.constant 0 : index
        %get3A_227 = tpu.vector_load %arg15[%get3A_224, %get3A_225, %get3A_226] {strides = array<i32>} : memref<2x50x128xf32, #tpu.memory_space<vmem>>, vector<1x1x16xf32>,
        %get3A_228 = vector.shape_cast %get3A_227 : vector<1x1x16xf32> to vector<16xf32>
        %swap3A_229 = arith.constant 0 : i32
        %swap3A_230 = arith.index_cast %swap3A_229 : i32 to index
        %swap3A_231 = arith.index_cast %scan3A_172 : i32 to index
        %swap3A_232 = arith.constant 64 : index
        %swap3A_233 = tpu.vector_load %arg18[%swap3A_230, %swap3A_231, %swap3A_232] {strides = array<i32>} : memref<2x50x128xf32, #tpu.memory_space<vmem>>, vector<1x1x16xf32>,
        %swap3A_234 = vector.shape_cast %swap3A_233 : vector<1x1x16xf32> to vector<16xf32>
        %swap3A_235 = vector.shape_cast %get3A_228 : vector<16xf32> to vector<1x1x16xf32>
        tpu.vector_store %arg18[%swap3A_230, %swap3A_231, %swap3A_232], %swap3A_235 {strides = array<i32>} : memref<2x50x128xf32, #tpu.memory_space<vmem>>, vector<1x1x16xf32>,
        %get3A_236 = arith.constant 0 : i32
        %get3A_237 = arith.index_cast %get3A_236 : i32 to index
        %get3A_238 = arith.index_cast %scan3A_172 : i32 to index
        %get3A_239 = arith.constant 64 : index
        %get3A_240 = tpu.vector_load %arg15[%get3A_237, %get3A_238, %get3A_239] {strides = array<i32>} : memref<2x50x128xf32, #tpu.memory_space<vmem>>, vector<1x1x16xf32>,
        %get3A_241 = vector.shape_cast %get3A_240 : vector<1x1x16xf32> to vector<16xf32>
        %swap3A_242 = arith.constant 0 : i32
        %swap3A_243 = arith.index_cast %swap3A_242 : i32 to index
        %swap3A_244 = arith.index_cast %scan3A_172 : i32 to index
        %swap3A_245 = arith.constant 0 : index
        %swap3A_246 = tpu.vector_load %arg19[%swap3A_243, %swap3A_244, %swap3A_245] {strides = array<i32>} : memref<2x50x64xf32, #tpu.memory_space<vmem>>, vector<1x1x16xf32>,
        %swap3A_247 = vector.shape_cast %swap3A_246 : vector<1x1x16xf32> to vector<16xf32>
        %swap3A_248 = vector.shape_cast %get3A_241 : vector<16xf32> to vector<1x1x16xf32>
        tpu.vector_store %arg19[%swap3A_243, %swap3A_244, %swap3A_245], %swap3A_248 {strides = array<i32>} : memref<2x50x64xf32, #tpu.memory_space<vmem>>, vector<1x1x16xf32>,
        %get3A_249 = arith.constant 0 : i32
        %get3A_250 = arith.index_cast %get3A_249 : i32 to index
        %get3A_251 = arith.index_cast %scan3A_172 : i32 to index
        %get3A_252 = arith.constant 16 : index
        %get3A_253 = tpu.vector_load %arg13[%get3A_250, %get3A_251, %get3A_252] {strides = array<i32>} : memref<2x50x128xf32, #tpu.memory_space<vmem>>, vector<1x1x16xf32>,
        %get3A_254 = vector.shape_cast %get3A_253 : vector<1x1x16xf32> to vector<16xf32>
        %swap3A_255 = arith.constant 0 : i32
        %swap3A_256 = arith.index_cast %swap3A_255 : i32 to index
        %swap3A_257 = arith.index_cast %scan3A_172 : i32 to index
        %swap3A_258 = arith.constant 80 : index
        %swap3A_259 = tpu.vector_load %arg16[%swap3A_256, %swap3A_257, %swap3A_258] {strides = array<i32>} : memref<2x50x128xf32, #tpu.memory_space<vmem>>, vector<1x1x16xf32>,
        %swap3A_260 = vector.shape_cast %swap3A_259 : vector<1x1x16xf32> to vector<16xf32>
        %swap3A_261 = vector.shape_cast %get3A_254 : vector<16xf32> to vector<1x1x16xf32>
        tpu.vector_store %arg16[%swap3A_256, %swap3A_257, %swap3A_258], %swap3A_261 {strides = array<i32>} : memref<2x50x128xf32, #tpu.memory_space<vmem>>, vector<1x1x16xf32>,
        %get3A_262 = arith.constant 0 : i32
        %get3A_263 = arith.index_cast %get3A_262 : i32 to index
        %get3A_264 = arith.index_cast %scan3A_172 : i32 to index
        %get3A_265 = arith.constant 80 : index
        %get3A_266 = tpu.vector_load %arg13[%get3A_263, %get3A_264, %get3A_265] {strides = array<i32>} : memref<2x50x128xf32, #tpu.memory_space<vmem>>, vector<1x1x16xf32>,
        %get3A_267 = vector.shape_cast %get3A_266 : vector<1x1x16xf32> to vector<16xf32>
        %swap3A_268 = arith.constant 0 : i32
        %swap3A_269 = arith.index_cast %swap3A_268 : i32 to index
        %swap3A_270 = arith.index_cast %scan3A_172 : i32 to index
        %swap3A_271 = arith.constant 16 : index
        %swap3A_272 = tpu.vector_load %arg17[%swap3A_269, %swap3A_270, %swap3A_271] {strides = array<i32>} : memref<2x50x128xf32, #tpu.memory_space<vmem>>, vector<1x1x16xf32>,
        %swap3A_273 = vector.shape_cast %swap3A_272 : vector<1x1x16xf32> to vector<16xf32>
        %swap3A_274 = vector.shape_cast %get3A_267 : vector<16xf32> to vector<1x1x16xf32>
        tpu.vector_store %arg17[%swap3A_269, %swap3A_270, %swap3A_271], %swap3A_274 {strides = array<i32>} : memref<2x50x128xf32, #tpu.memory_space<vmem>>, vector<1x1x16xf32>,
        %get3A_275 = arith.constant 0 : i32
        %get3A_276 = arith.index_cast %get3A_275 : i32 to index
        %get3A_277 = arith.index_cast %scan3A_172 : i32 to index
        %get3A_278 = arith.constant 16 : index
        %get3A_279 = tpu.vector_load %arg14[%get3A_276, %get3A_277, %get3A_278] {strides = array<i32>} : memref<2x50x128xf32, #tpu.memory_space<vmem>>, vector<1x1x16xf32>,
        %get3A_280 = vector.shape_cast %get3A_279 : vector<1x1x16xf32> to vector<16xf32>
        %swap3A_281 = arith.constant 0 : i32
        %swap3A_282 = arith.index_cast %swap3A_281 : i32 to index
        %swap3A_283 = arith.index_cast %scan3A_172 : i32 to index
        %swap3A_284 = arith.constant 80 : index
        %swap3A_285 = tpu.vector_load %arg17[%swap3A_282, %swap3A_283, %swap3A_284] {strides = array<i32>} : memref<2x50x128xf32, #tpu.memory_space<vmem>>, vector<1x1x16xf32>,
        %swap3A_286 = vector.shape_cast %swap3A_285 : vector<1x1x16xf32> to vector<16xf32>
        %swap3A_287 = vector.shape_cast %get3A_280 : vector<16xf32> to vector<1x1x16xf32>
        tpu.vector_store %arg17[%swap3A_282, %swap3A_283, %swap3A_284], %swap3A_287 {strides = array<i32>} : memref<2x50x128xf32, #tpu.memory_space<vmem>>, vector<1x1x16xf32>,
        %get3A_288 = arith.constant 0 : i32
        %get3A_289 = arith.index_cast %get3A_288 : i32 to index
        %get3A_290 = arith.index_cast %scan3A_172 : i32 to index
        %get3A_291 = arith.constant 80 : index
        %get3A_292 = tpu.vector_load %arg14[%get3A_289, %get3A_290, %get3A_291] {strides = array<i32>} : memref<2x50x128xf32, #tpu.memory_space<vmem>>, vector<1x1x16xf32>,
        %get3A_293 = vector.shape_cast %get3A_292 : vector<1x1x16xf32> to vector<16xf32>
        %swap3A_294 = arith.constant 0 : i32
        %swap3A_295 = arith.index_cast %swap3A_294 : i32 to index
        %swap3A_296 = arith.index_cast %scan3A_172 : i32 to index
        %swap3A_297 = arith.constant 16 : index
        %swap3A_298 = tpu.vector_load %arg18[%swap3A_295, %swap3A_296, %swap3A_297] {strides = array<i32>} : memref<2x50x128xf32, #tpu.memory_space<vmem>>, vector<1x1x16xf32>,
        %swap3A_299 = vector.shape_cast %swap3A_298 : vector<1x1x16xf32> to vector<16xf32>
        %swap3A_300 = vector.shape_cast %get3A_293 : vector<16xf32> to vector<1x1x16xf32>
        tpu.vector_store %arg18[%swap3A_295, %swap3A_296, %swap3A_297], %swap3A_300 {strides = array<i32>} : memref<2x50x128xf32, #tpu.memory_space<vmem>>, vector<1x1x16xf32>,
        %get3A_301 = arith.constant 0 : i32
        %get3A_302 = arith.index_cast %get3A_301 : i32 to index
        %get3A_303 = arith.index_cast %scan3A_172 : i32 to index
        %get3A_304 = arith.constant 16 : index
        %get3A_305 = tpu.vector_load %arg15[%get3A_302, %get3A_303, %get3A_304] {strides = array<i32>} : memref<2x50x128xf32, #tpu.memory_space<vmem>>, vector<1x1x16xf32>,
        %get3A_306 = vector.shape_cast %get3A_305 : vector<1x1x16xf32> to vector<16xf32>
        %swap3A_307 = arith.constant 0 : i32
        %swap3A_308 = arith.index_cast %swap3A_307 : i32 to index
        %swap3A_309 = arith.index_cast %scan3A_172 : i32 to index
        %swap3A_310 = arith.constant 80 : index
        %swap3A_311 = tpu.vector_load %arg18[%swap3A_308, %swap3A_309, %swap3A_310] {strides = array<i32>} : memref<2x50x128xf32, #tpu.memory_space<vmem>>, vector<1x1x16xf32>,
        %swap3A_312 = vector.shape_cast %swap3A_311 : vector<1x1x16xf32> to vector<16xf32>
        %swap3A_313 = vector.shape_cast %get3A_306 : vector<16xf32> to vector<1x1x16xf32>
        tpu.vector_store %arg18[%swap3A_308, %swap3A_309, %swap3A_310], %swap3A_313 {strides = array<i32>} : memref<2x50x128xf32, #tpu.memory_space<vmem>>, vector<1x1x16xf32>,
        %get3A_314 = arith.constant 0 : i32
        %get3A_315 = arith.index_cast %get3A_314 : i32 to index
        %get3A_316 = arith.index_cast %scan3A_172 : i32 to index
        %get3A_317 = arith.constant 80 : index
        %get3A_318 = tpu.vector_load %arg15[%get3A_315, %get3A_316, %get3A_317] {strides = array<i32>} : memref<2x50x128xf32, #tpu.memory_space<vmem>>, vector<1x1x16xf32>,
        %get3A_319 = vector.shape_cast %get3A_318 : vector<1x1x16xf32> to vector<16xf32>
        %swap3A_320 = arith.constant 0 : i32
        %swap3A_321 = arith.index_cast %swap3A_320 : i32 to index
        %swap3A_322 = arith.index_cast %scan3A_172 : i32 to index
        %swap3A_323 = arith.constant 16 : index
        %swap3A_324 = tpu.vector_load %arg19[%swap3A_321, %swap3A_322, %swap3A_323] {strides = array<i32>} : memref<2x50x64xf32, #tpu.memory_space<vmem>>, vector<1x1x16xf32>,
        %swap3A_325 = vector.shape_cast %swap3A_324 : vector<1x1x16xf32> to vector<16xf32>
        %swap3A_326 = vector.shape_cast %get3A_319 : vector<16xf32> to vector<1x1x16xf32>
        tpu.vector_store %arg19[%swap3A_321, %swap3A_322, %swap3A_323], %swap3A_326 {strides = array<i32>} : memref<2x50x64xf32, #tpu.memory_space<vmem>>, vector<1x1x16xf32>,
        %get3A_327 = arith.constant 0 : i32
        %get3A_328 = arith.index_cast %get3A_327 : i32 to index
        %get3A_329 = arith.index_cast %scan3A_172 : i32 to index
        %get3A_330 = arith.constant 32 : index
        %get3A_331 = tpu.vector_load %arg13[%get3A_328, %get3A_329, %get3A_330] {strides = array<i32>} : memref<2x50x128xf32, #tpu.memory_space<vmem>>, vector<1x1x16xf32>,
        %get3A_332 = vector.shape_cast %get3A_331 : vector<1x1x16xf32> to vector<16xf32>
        %swap3A_333 = arith.constant 0 : i32
        %swap3A_334 = arith.index_cast %swap3A_333 : i32 to index
        %swap3A_335 = arith.index_cast %scan3A_172 : i32 to index
        %swap3A_336 = arith.constant 96 : index
        %swap3A_337 = tpu.vector_load %arg16[%swap3A_334, %swap3A_335, %swap3A_336] {strides = array<i32>} : memref<2x50x128xf32, #tpu.memory_space<vmem>>, vector<1x1x16xf32>,
        %swap3A_338 = vector.shape_cast %swap3A_337 : vector<1x1x16xf32> to vector<16xf32>
        %swap3A_339 = vector.shape_cast %get3A_332 : vector<16xf32> to vector<1x1x16xf32>
        tpu.vector_store %arg16[%swap3A_334, %swap3A_335, %swap3A_336], %swap3A_339 {strides = array<i32>} : memref<2x50x128xf32, #tpu.memory_space<vmem>>, vector<1x1x16xf32>,
        %get3A_340 = arith.constant 0 : i32
        %get3A_341 = arith.index_cast %get3A_340 : i32 to index
        %get3A_342 = arith.index_cast %scan3A_172 : i32 to index
        %get3A_343 = arith.constant 96 : index
        %get3A_344 = tpu.vector_load %arg13[%get3A_341, %get3A_342, %get3A_343] {strides = array<i32>} : memref<2x50x128xf32, #tpu.memory_space<vmem>>, vector<1x1x16xf32>,
        %get3A_345 = vector.shape_cast %get3A_344 : vector<1x1x16xf32> to vector<16xf32>
        %swap3A_346 = arith.constant 0 : i32
        %swap3A_347 = arith.index_cast %swap3A_346 : i32 to index
        %swap3A_348 = arith.index_cast %scan3A_172 : i32 to index
        %swap3A_349 = arith.constant 32 : index
        %swap3A_350 = tpu.vector_load %arg17[%swap3A_347, %swap3A_348, %swap3A_349] {strides = array<i32>} : memref<2x50x128xf32, #tpu.memory_space<vmem>>, vector<1x1x16xf32>,
        %swap3A_351 = vector.shape_cast %swap3A_350 : vector<1x1x16xf32> to vector<16xf32>
        %swap3A_352 = vector.shape_cast %get3A_345 : vector<16xf32> to vector<1x1x16xf32>
        tpu.vector_store %arg17[%swap3A_347, %swap3A_348, %swap3A_349], %swap3A_352 {strides = array<i32>} : memref<2x50x128xf32, #tpu.memory_space<vmem>>, vector<1x1x16xf32>,
        %get3A_353 = arith.constant 0 : i32
        %get3A_354 = arith.index_cast %get3A_353 : i32 to index
        %get3A_355 = arith.index_cast %scan3A_172 : i32 to index
        %get3A_356 = arith.constant 32 : index
        %get3A_357 = tpu.vector_load %arg14[%get3A_354, %get3A_355, %get3A_356] {strides = array<i32>} : memref<2x50x128xf32, #tpu.memory_space<vmem>>, vector<1x1x16xf32>,
        %get3A_358 = vector.shape_cast %get3A_357 : vector<1x1x16xf32> to vector<16xf32>
        %swap3A_359 = arith.constant 0 : i32
        %swap3A_360 = arith.index_cast %swap3A_359 : i32 to index
        %swap3A_361 = arith.index_cast %scan3A_172 : i32 to index
        %swap3A_362 = arith.constant 96 : index
        %swap3A_363 = tpu.vector_load %arg17[%swap3A_360, %swap3A_361, %swap3A_362] {strides = array<i32>} : memref<2x50x128xf32, #tpu.memory_space<vmem>>, vector<1x1x16xf32>,
        %swap3A_364 = vector.shape_cast %swap3A_363 : vector<1x1x16xf32> to vector<16xf32>
        %swap3A_365 = vector.shape_cast %get3A_358 : vector<16xf32> to vector<1x1x16xf32>
        tpu.vector_store %arg17[%swap3A_360, %swap3A_361, %swap3A_362], %swap3A_365 {strides = array<i32>} : memref<2x50x128xf32, #tpu.memory_space<vmem>>, vector<1x1x16xf32>,
        %get3A_366 = arith.constant 0 : i32
        %get3A_367 = arith.index_cast %get3A_366 : i32 to index
        %get3A_368 = arith.index_cast %scan3A_172 : i32 to index
        %get3A_369 = arith.constant 96 : index
        %get3A_370 = tpu.vector_load %arg14[%get3A_367, %get3A_368, %get3A_369] {strides = array<i32>} : memref<2x50x128xf32, #tpu.memory_space<vmem>>, vector<1x1x16xf32>,
        %get3A_371 = vector.shape_cast %get3A_370 : vector<1x1x16xf32> to vector<16xf32>
        %swap3A_372 = arith.constant 0 : i32
        %swap3A_373 = arith.index_cast %swap3A_372 : i32 to index
        %swap3A_374 = arith.index_cast %scan3A_172 : i32 to index
        %swap3A_375 = arith.constant 32 : index
        %swap3A_376 = tpu.vector_load %arg18[%swap3A_373, %swap3A_374, %swap3A_375] {strides = array<i32>} : memref<2x50x128xf32, #tpu.memory_space<vmem>>, vector<1x1x16xf32>,
        %swap3A_377 = vector.shape_cast %swap3A_376 : vector<1x1x16xf32> to vector<16xf32>
        %swap3A_378 = vector.shape_cast %get3A_371 : vector<16xf32> to vector<1x1x16xf32>
        tpu.vector_store %arg18[%swap3A_373, %swap3A_374, %swap3A_375], %swap3A_378 {strides = array<i32>} : memref<2x50x128xf32, #tpu.memory_space<vmem>>, vector<1x1x16xf32>,
        %get3A_379 = arith.constant 0 : i32
        %get3A_380 = arith.index_cast %get3A_379 : i32 to index
        %get3A_381 = arith.index_cast %scan3A_172 : i32 to index
        %get3A_382 = arith.constant 32 : index
        %get3A_383 = tpu.vector_load %arg15[%get3A_380, %get3A_381, %get3A_382] {strides = array<i32>} : memref<2x50x128xf32, #tpu.memory_space<vmem>>, vector<1x1x16xf32>,
        %get3A_384 = vector.shape_cast %get3A_383 : vector<1x1x16xf32> to vector<16xf32>
        %swap3A_385 = arith.constant 0 : i32
        %swap3A_386 = arith.index_cast %swap3A_385 : i32 to index
        %swap3A_387 = arith.index_cast %scan3A_172 : i32 to index
        %swap3A_388 = arith.constant 96 : index
        %swap3A_389 = tpu.vector_load %arg18[%swap3A_386, %swap3A_387, %swap3A_388] {strides = array<i32>} : memref<2x50x128xf32, #tpu.memory_space<vmem>>, vector<1x1x16xf32>,
        %swap3A_390 = vector.shape_cast %swap3A_389 : vector<1x1x16xf32> to vector<16xf32>
        %swap3A_391 = vector.shape_cast %get3A_384 : vector<16xf32> to vector<1x1x16xf32>
        tpu.vector_store %arg18[%swap3A_386, %swap3A_387, %swap3A_388], %swap3A_391 {strides = array<i32>} : memref<2x50x128xf32, #tpu.memory_space<vmem>>, vector<1x1x16xf32>,
        %get3A_392 = arith.constant 0 : i32
        %get3A_393 = arith.index_cast %get3A_392 : i32 to index
        %get3A_394 = arith.index_cast %scan3A_172 : i32 to index
        %get3A_395 = arith.constant 96 : index
        %get3A_396 = tpu.vector_load %arg15[%get3A_393, %get3A_394, %get3A_395] {strides = array<i32>} : memref<2x50x128xf32, #tpu.memory_space<vmem>>, vector<1x1x16xf32>,
        %get3A_397 = vector.shape_cast %get3A_396 : vector<1x1x16xf32> to vector<16xf32>
        %swap3A_398 = arith.constant 0 : i32
        %swap3A_399 = arith.index_cast %swap3A_398 : i32 to index
        %swap3A_400 = arith.index_cast %scan3A_172 : i32 to index
        %swap3A_401 = arith.constant 32 : index
        %swap3A_402 = tpu.vector_load %arg19[%swap3A_399, %swap3A_400, %swap3A_401] {strides = array<i32>} : memref<2x50x64xf32, #tpu.memory_space<vmem>>, vector<1x1x16xf32>,
        %swap3A_403 = vector.shape_cast %swap3A_402 : vector<1x1x16xf32> to vector<16xf32>
        %swap3A_404 = vector.shape_cast %get3A_397 : vector<16xf32> to vector<1x1x16xf32>
        tpu.vector_store %arg19[%swap3A_399, %swap3A_400, %swap3A_401], %swap3A_404 {strides = array<i32>} : memref<2x50x64xf32, #tpu.memory_space<vmem>>, vector<1x1x16xf32>,
        %get3A_405 = arith.constant 0 : i32
        %get3A_406 = arith.index_cast %get3A_405 : i32 to index
        %get3A_407 = arith.index_cast %scan3A_172 : i32 to index
        %get3A_408 = arith.constant 48 : index
        %get3A_409 = tpu.vector_load %arg13[%get3A_406, %get3A_407, %get3A_408] {strides = array<i32>} : memref<2x50x128xf32, #tpu.memory_space<vmem>>, vector<1x1x16xf32>,
        %get3A_410 = vector.shape_cast %get3A_409 : vector<1x1x16xf32> to vector<16xf32>
        %swap3A_411 = arith.constant 0 : i32
        %swap3A_412 = arith.index_cast %swap3A_411 : i32 to index
        %swap3A_413 = arith.index_cast %scan3A_172 : i32 to index
        %swap3A_414 = arith.constant 112 : index
        %swap3A_415 = tpu.vector_load %arg16[%swap3A_412, %swap3A_413, %swap3A_414] {strides = array<i32>} : memref<2x50x128xf32, #tpu.memory_space<vmem>>, vector<1x1x16xf32>,
        %swap3A_416 = vector.shape_cast %swap3A_415 : vector<1x1x16xf32> to vector<16xf32>
        %swap3A_417 = vector.shape_cast %get3A_410 : vector<16xf32> to vector<1x1x16xf32>
        tpu.vector_store %arg16[%swap3A_412, %swap3A_413, %swap3A_414], %swap3A_417 {strides = array<i32>} : memref<2x50x128xf32, #tpu.memory_space<vmem>>, vector<1x1x16xf32>,
        %get3A_418 = arith.constant 0 : i32
        %get3A_419 = arith.index_cast %get3A_418 : i32 to index
        %get3A_420 = arith.index_cast %scan3A_172 : i32 to index
        %get3A_421 = arith.constant 112 : index
        %get3A_422 = tpu.vector_load %arg13[%get3A_419, %get3A_420, %get3A_421] {strides = array<i32>} : memref<2x50x128xf32, #tpu.memory_space<vmem>>, vector<1x1x16xf32>,
        %get3A_423 = vector.shape_cast %get3A_422 : vector<1x1x16xf32> to vector<16xf32>
        %swap3A_424 = arith.constant 0 : i32
        %swap3A_425 = arith.index_cast %swap3A_424 : i32 to index
        %swap3A_426 = arith.index_cast %scan3A_172 : i32 to index
        %swap3A_427 = arith.constant 48 : index
        %swap3A_428 = tpu.vector_load %arg17[%swap3A_425, %swap3A_426, %swap3A_427] {strides = array<i32>} : memref<2x50x128xf32, #tpu.memory_space<vmem>>, vector<1x1x16xf32>,
        %swap3A_429 = vector.shape_cast %swap3A_428 : vector<1x1x16xf32> to vector<16xf32>
        %swap3A_430 = vector.shape_cast %get3A_423 : vector<16xf32> to vector<1x1x16xf32>
        tpu.vector_store %arg17[%swap3A_425, %swap3A_426, %swap3A_427], %swap3A_430 {strides = array<i32>} : memref<2x50x128xf32, #tpu.memory_space<vmem>>, vector<1x1x16xf32>,
        %get3A_431 = arith.constant 0 : i32
        %get3A_432 = arith.index_cast %get3A_431 : i32 to index
        %get3A_433 = arith.index_cast %scan3A_172 : i32 to index
        %get3A_434 = arith.constant 48 : index
        %get3A_435 = tpu.vector_load %arg14[%get3A_432, %get3A_433, %get3A_434] {strides = array<i32>} : memref<2x50x128xf32, #tpu.memory_space<vmem>>, vector<1x1x16xf32>,
        %get3A_436 = vector.shape_cast %get3A_435 : vector<1x1x16xf32> to vector<16xf32>
        %swap3A_437 = arith.constant 0 : i32
        %swap3A_438 = arith.index_cast %swap3A_437 : i32 to index
        %swap3A_439 = arith.index_cast %scan3A_172 : i32 to index
        %swap3A_440 = arith.constant 112 : index
        %swap3A_441 = tpu.vector_load %arg17[%swap3A_438, %swap3A_439, %swap3A_440] {strides = array<i32>} : memref<2x50x128xf32, #tpu.memory_space<vmem>>, vector<1x1x16xf32>,
        %swap3A_442 = vector.shape_cast %swap3A_441 : vector<1x1x16xf32> to vector<16xf32>
        %swap3A_443 = vector.shape_cast %get3A_436 : vector<16xf32> to vector<1x1x16xf32>
        tpu.vector_store %arg17[%swap3A_438, %swap3A_439, %swap3A_440], %swap3A_443 {strides = array<i32>} : memref<2x50x128xf32, #tpu.memory_space<vmem>>, vector<1x1x16xf32>,
        %get3A_444 = arith.constant 0 : i32
        %get3A_445 = arith.index_cast %get3A_444 : i32 to index
        %get3A_446 = arith.index_cast %scan3A_172 : i32 to index
        %get3A_447 = arith.constant 112 : index
        %get3A_448 = tpu.vector_load %arg14[%get3A_445, %get3A_446, %get3A_447] {strides = array<i32>} : memref<2x50x128xf32, #tpu.memory_space<vmem>>, vector<1x1x16xf32>,
        %get3A_449 = vector.shape_cast %get3A_448 : vector<1x1x16xf32> to vector<16xf32>
        %swap3A_450 = arith.constant 0 : i32
        %swap3A_451 = arith.index_cast %swap3A_450 : i32 to index
        %swap3A_452 = arith.index_cast %scan3A_172 : i32 to index
        %swap3A_453 = arith.constant 48 : index
        %swap3A_454 = tpu.vector_load %arg18[%swap3A_451, %swap3A_452, %swap3A_453] {strides = array<i32>} : memref<2x50x128xf32, #tpu.memory_space<vmem>>, vector<1x1x16xf32>,
        %swap3A_455 = vector.shape_cast %swap3A_454 : vector<1x1x16xf32> to vector<16xf32>
        %swap3A_456 = vector.shape_cast %get3A_449 : vector<16xf32> to vector<1x1x16xf32>
        tpu.vector_store %arg18[%swap3A_451, %swap3A_452, %swap3A_453], %swap3A_456 {strides = array<i32>} : memref<2x50x128xf32, #tpu.memory_space<vmem>>, vector<1x1x16xf32>,
        %get3A_457 = arith.constant 0 : i32
        %get3A_458 = arith.index_cast %get3A_457 : i32 to index
        %get3A_459 = arith.index_cast %scan3A_172 : i32 to index
        %get3A_460 = arith.constant 48 : index
        %get3A_461 = tpu.vector_load %arg15[%get3A_458, %get3A_459, %get3A_460] {strides = array<i32>} : memref<2x50x128xf32, #tpu.memory_space<vmem>>, vector<1x1x16xf32>,
        %get3A_462 = vector.shape_cast %get3A_461 : vector<1x1x16xf32> to vector<16xf32>
        %swap3A_463 = arith.constant 0 : i32
        %swap3A_464 = arith.index_cast %swap3A_463 : i32 to index
        %swap3A_465 = arith.index_cast %scan3A_172 : i32 to index
        %swap3A_466 = arith.constant 112 : index
        %swap3A_467 = tpu.vector_load %arg18[%swap3A_464, %swap3A_465, %swap3A_466] {strides = array<i32>} : memref<2x50x128xf32, #tpu.memory_space<vmem>>, vector<1x1x16xf32>,
        %swap3A_468 = vector.shape_cast %swap3A_467 : vector<1x1x16xf32> to vector<16xf32>
        %swap3A_469 = vector.shape_cast %get3A_462 : vector<16xf32> to vector<1x1x16xf32>
        tpu.vector_store %arg18[%swap3A_464, %swap3A_465, %swap3A_466], %swap3A_469 {strides = array<i32>} : memref<2x50x128xf32, #tpu.memory_space<vmem>>, vector<1x1x16xf32>,
        %get3A_470 = arith.constant 0 : i32
        %get3A_471 = arith.index_cast %get3A_470 : i32 to index
        %get3A_472 = arith.index_cast %scan3A_172 : i32 to index
        %get3A_473 = arith.constant 112 : index
        %get3A_474 = tpu.vector_load %arg15[%get3A_471, %get3A_472, %get3A_473] {strides = array<i32>} : memref<2x50x128xf32, #tpu.memory_space<vmem>>, vector<1x1x16xf32>,
        %get3A_475 = vector.shape_cast %get3A_474 : vector<1x1x16xf32> to vector<16xf32>
        %swap3A_476 = arith.constant 0 : i32
        %swap3A_477 = arith.index_cast %swap3A_476 : i32 to index
        %swap3A_478 = arith.index_cast %scan3A_172 : i32 to index
        %swap3A_479 = arith.constant 48 : index
        %swap3A_480 = tpu.vector_load %arg19[%swap3A_477, %swap3A_478, %swap3A_479] {strides = array<i32>} : memref<2x50x64xf32, #tpu.memory_space<vmem>>, vector<1x1x16xf32>,
        %swap3A_481 = vector.shape_cast %swap3A_480 : vector<1x1x16xf32> to vector<16xf32>
        %swap3A_482 = vector.shape_cast %get3A_475 : vector<16xf32> to vector<1x1x16xf32>
        tpu.vector_store %arg19[%swap3A_477, %swap3A_478, %swap3A_479], %swap3A_482 {strides = array<i32>} : memref<2x50x64xf32, #tpu.memory_space<vmem>>, vector<1x1x16xf32>,
        %get3A_483 = arith.constant 1 : i32
        %get3A_484 = arith.index_cast %get3A_483 : i32 to index
        %get3A_485 = arith.index_cast %scan3A_172 : i32 to index
        %get3A_486 = arith.constant 0 : index
        %get3A_487 = tpu.vector_load %arg13[%get3A_484, %get3A_485, %get3A_486] {strides = array<i32>} : memref<2x50x128xf32, #tpu.memory_space<vmem>>, vector<1x1x16xf32>,
        %get3A_488 = vector.shape_cast %get3A_487 : vector<1x1x16xf32> to vector<16xf32>
        %swap3A_489 = arith.constant 1 : i32
        %swap3A_490 = arith.index_cast %swap3A_489 : i32 to index
        %swap3A_491 = arith.index_cast %scan3A_172 : i32 to index
        %swap3A_492 = arith.constant 64 : index
        %swap3A_493 = tpu.vector_load %arg16[%swap3A_490, %swap3A_491, %swap3A_492] {strides = array<i32>} : memref<2x50x128xf32, #tpu.memory_space<vmem>>, vector<1x1x16xf32>,
        %swap3A_494 = vector.shape_cast %swap3A_493 : vector<1x1x16xf32> to vector<16xf32>
        %swap3A_495 = vector.shape_cast %get3A_488 : vector<16xf32> to vector<1x1x16xf32>
        tpu.vector_store %arg16[%swap3A_490, %swap3A_491, %swap3A_492], %swap3A_495 {strides = array<i32>} : memref<2x50x128xf32, #tpu.memory_space<vmem>>, vector<1x1x16xf32>,
        %get3A_496 = arith.constant 1 : i32
        %get3A_497 = arith.index_cast %get3A_496 : i32 to index
        %get3A_498 = arith.index_cast %scan3A_172 : i32 to index
        %get3A_499 = arith.constant 64 : index
        %get3A_500 = tpu.vector_load %arg13[%get3A_497, %get3A_498, %get3A_499] {strides = array<i32>} : memref<2x50x128xf32, #tpu.memory_space<vmem>>, vector<1x1x16xf32>,
        %get3A_501 = vector.shape_cast %get3A_500 : vector<1x1x16xf32> to vector<16xf32>
        %swap3A_502 = arith.constant 1 : i32
        %swap3A_503 = arith.index_cast %swap3A_502 : i32 to index
        %swap3A_504 = arith.index_cast %scan3A_172 : i32 to index
        %swap3A_505 = arith.constant 0 : index
        %swap3A_506 = tpu.vector_load %arg17[%swap3A_503, %swap3A_504, %swap3A_505] {strides = array<i32>} : memref<2x50x128xf32, #tpu.memory_space<vmem>>, vector<1x1x16xf32>,
        %swap3A_507 = vector.shape_cast %swap3A_506 : vector<1x1x16xf32> to vector<16xf32>
        %swap3A_508 = vector.shape_cast %get3A_501 : vector<16xf32> to vector<1x1x16xf32>
        tpu.vector_store %arg17[%swap3A_503, %swap3A_504, %swap3A_505], %swap3A_508 {strides = array<i32>} : memref<2x50x128xf32, #tpu.memory_space<vmem>>, vector<1x1x16xf32>,
        %get3A_509 = arith.constant 1 : i32
        %get3A_510 = arith.index_cast %get3A_509 : i32 to index
        %get3A_511 = arith.index_cast %scan3A_172 : i32 to index
        %get3A_512 = arith.constant 0 : index
        %get3A_513 = tpu.vector_load %arg14[%get3A_510, %get3A_511, %get3A_512] {strides = array<i32>} : memref<2x50x128xf32, #tpu.memory_space<vmem>>, vector<1x1x16xf32>,
        %get3A_514 = vector.shape_cast %get3A_513 : vector<1x1x16xf32> to vector<16xf32>
        %swap3A_515 = arith.constant 1 : i32
        %swap3A_516 = arith.index_cast %swap3A_515 : i32 to index
        %swap3A_517 = arith.index_cast %scan3A_172 : i32 to index
        %swap3A_518 = arith.constant 64 : index
        %swap3A_519 = tpu.vector_load %arg17[%swap3A_516, %swap3A_517, %swap3A_518] {strides = array<i32>} : memref<2x50x128xf32, #tpu.memory_space<vmem>>, vector<1x1x16xf32>,
        %swap3A_520 = vector.shape_cast %swap3A_519 : vector<1x1x16xf32> to vector<16xf32>
        %swap3A_521 = vector.shape_cast %get3A_514 : vector<16xf32> to vector<1x1x16xf32>
        tpu.vector_store %arg17[%swap3A_516, %swap3A_517, %swap3A_518], %swap3A_521 {strides = array<i32>} : memref<2x50x128xf32, #tpu.memory_space<vmem>>, vector<1x1x16xf32>,
        %get3A_522 = arith.constant 1 : i32
        %get3A_523 = arith.index_cast %get3A_522 : i32 to index
        %get3A_524 = arith.index_cast %scan3A_172 : i32 to index
        %get3A_525 = arith.constant 64 : index
        %get3A_526 = tpu.vector_load %arg14[%get3A_523, %get3A_524, %get3A_525] {strides = array<i32>} : memref<2x50x128xf32, #tpu.memory_space<vmem>>, vector<1x1x16xf32>,
        %get3A_527 = vector.shape_cast %get3A_526 : vector<1x1x16xf32> to vector<16xf32>
        %swap3A_528 = arith.constant 1 : i32
        %swap3A_529 = arith.index_cast %swap3A_528 : i32 to index
        %swap3A_530 = arith.index_cast %scan3A_172 : i32 to index
        %swap3A_531 = arith.constant 0 : index
        %swap3A_532 = tpu.vector_load %arg18[%swap3A_529, %swap3A_530, %swap3A_531] {strides = array<i32>} : memref<2x50x128xf32, #tpu.memory_space<vmem>>, vector<1x1x16xf32>,
        %swap3A_533 = vector.shape_cast %swap3A_532 : vector<1x1x16xf32> to vector<16xf32>
        %swap3A_534 = vector.shape_cast %get3A_527 : vector<16xf32> to vector<1x1x16xf32>
        tpu.vector_store %arg18[%swap3A_529, %swap3A_530, %swap3A_531], %swap3A_534 {strides = array<i32>} : memref<2x50x128xf32, #tpu.memory_space<vmem>>, vector<1x1x16xf32>,
        %get3A_535 = arith.constant 1 : i32
        %get3A_536 = arith.index_cast %get3A_535 : i32 to index
        %get3A_537 = arith.index_cast %scan3A_172 : i32 to index
        %get3A_538 = arith.constant 0 : index
        %get3A_539 = tpu.vector_load %arg15[%get3A_536, %get3A_537, %get3A_538] {strides = array<i32>} : memref<2x50x128xf32, #tpu.memory_space<vmem>>, vector<1x1x16xf32>,
        %get3A_540 = vector.shape_cast %get3A_539 : vector<1x1x16xf32> to vector<16xf32>
        %swap3A_541 = arith.constant 1 : i32
        %swap3A_542 = arith.index_cast %swap3A_541 : i32 to index
        %swap3A_543 = arith.index_cast %scan3A_172 : i32 to index
        %swap3A_544 = arith.constant 64 : index
        %swap3A_545 = tpu.vector_load %arg18[%swap3A_542, %swap3A_543, %swap3A_544] {strides = array<i32>} : memref<2x50x128xf32, #tpu.memory_space<vmem>>, vector<1x1x16xf32>,
        %swap3A_546 = vector.shape_cast %swap3A_545 : vector<1x1x16xf32> to vector<16xf32>
        %swap3A_547 = vector.shape_cast %get3A_540 : vector<16xf32> to vector<1x1x16xf32>
        tpu.vector_store %arg18[%swap3A_542, %swap3A_543, %swap3A_544], %swap3A_547 {strides = array<i32>} : memref<2x50x128xf32, #tpu.memory_space<vmem>>, vector<1x1x16xf32>,
        %get3A_548 = arith.constant 1 : i32
        %get3A_549 = arith.index_cast %get3A_548 : i32 to index
        %get3A_550 = arith.index_cast %scan3A_172 : i32 to index
        %get3A_551 = arith.constant 64 : index
        %get3A_552 = tpu.vector_load %arg15[%get3A_549, %get3A_550, %get3A_551] {strides = array<i32>} : memref<2x50x128xf32, #tpu.memory_space<vmem>>, vector<1x1x16xf32>,
        %get3A_553 = vector.shape_cast %get3A_552 : vector<1x1x16xf32> to vector<16xf32>
        %swap3A_554 = arith.constant 1 : i32
        %swap3A_555 = arith.index_cast %swap3A_554 : i32 to index
        %swap3A_556 = arith.index_cast %scan3A_172 : i32 to index
        %swap3A_557 = arith.constant 0 : index
        %swap3A_558 = tpu.vector_load %arg19[%swap3A_555, %swap3A_556, %swap3A_557] {strides = array<i32>} : memref<2x50x64xf32, #tpu.memory_space<vmem>>, vector<1x1x16xf32>,
        %swap3A_559 = vector.shape_cast %swap3A_558 : vector<1x1x16xf32> to vector<16xf32>
        %swap3A_560 = vector.shape_cast %get3A_553 : vector<16xf32> to vector<1x1x16xf32>
        tpu.vector_store %arg19[%swap3A_555, %swap3A_556, %swap3A_557], %swap3A_560 {strides = array<i32>} : memref<2x50x64xf32, #tpu.memory_space<vmem>>, vector<1x1x16xf32>,
        %get3A_561 = arith.constant 1 : i32
        %get3A_562 = arith.index_cast %get3A_561 : i32 to index
        %get3A_563 = arith.index_cast %scan3A_172 : i32 to index
        %get3A_564 = arith.constant 16 : index
        %get3A_565 = tpu.vector_load %arg13[%get3A_562, %get3A_563, %get3A_564] {strides = array<i32>} : memref<2x50x128xf32, #tpu.memory_space<vmem>>, vector<1x1x16xf32>,
        %get3A_566 = vector.shape_cast %get3A_565 : vector<1x1x16xf32> to vector<16xf32>
        %swap3A_567 = arith.constant 1 : i32
        %swap3A_568 = arith.index_cast %swap3A_567 : i32 to index
        %swap3A_569 = arith.index_cast %scan3A_172 : i32 to index
        %swap3A_570 = arith.constant 80 : index
        %swap3A_571 = tpu.vector_load %arg16[%swap3A_568, %swap3A_569, %swap3A_570] {strides = array<i32>} : memref<2x50x128xf32, #tpu.memory_space<vmem>>, vector<1x1x16xf32>,
        %swap3A_572 = vector.shape_cast %swap3A_571 : vector<1x1x16xf32> to vector<16xf32>
        %swap3A_573 = vector.shape_cast %get3A_566 : vector<16xf32> to vector<1x1x16xf32>
        tpu.vector_store %arg16[%swap3A_568, %swap3A_569, %swap3A_570], %swap3A_573 {strides = array<i32>} : memref<2x50x128xf32, #tpu.memory_space<vmem>>, vector<1x1x16xf32>,
        %get3A_574 = arith.constant 1 : i32
        %get3A_575 = arith.index_cast %get3A_574 : i32 to index
        %get3A_576 = arith.index_cast %scan3A_172 : i32 to index
        %get3A_577 = arith.constant 80 : index
        %get3A_578 = tpu.vector_load %arg13[%get3A_575, %get3A_576, %get3A_577] {strides = array<i32>} : memref<2x50x128xf32, #tpu.memory_space<vmem>>, vector<1x1x16xf32>,
        %get3A_579 = vector.shape_cast %get3A_578 : vector<1x1x16xf32> to vector<16xf32>
        %swap3A_580 = arith.constant 1 : i32
        %swap3A_581 = arith.index_cast %swap3A_580 : i32 to index
        %swap3A_582 = arith.index_cast %scan3A_172 : i32 to index
        %swap3A_583 = arith.constant 16 : index
        %swap3A_584 = tpu.vector_load %arg17[%swap3A_581, %swap3A_582, %swap3A_583] {strides = array<i32>} : memref<2x50x128xf32, #tpu.memory_space<vmem>>, vector<1x1x16xf32>,
        %swap3A_585 = vector.shape_cast %swap3A_584 : vector<1x1x16xf32> to vector<16xf32>
        %swap3A_586 = vector.shape_cast %get3A_579 : vector<16xf32> to vector<1x1x16xf32>
        tpu.vector_store %arg17[%swap3A_581, %swap3A_582, %swap3A_583], %swap3A_586 {strides = array<i32>} : memref<2x50x128xf32, #tpu.memory_space<vmem>>, vector<1x1x16xf32>,
        %get3A_587 = arith.constant 1 : i32
        %get3A_588 = arith.index_cast %get3A_587 : i32 to index
        %get3A_589 = arith.index_cast %scan3A_172 : i32 to index
        %get3A_590 = arith.constant 16 : index
        %get3A_591 = tpu.vector_load %arg14[%get3A_588, %get3A_589, %get3A_590] {strides = array<i32>} : memref<2x50x128xf32, #tpu.memory_space<vmem>>, vector<1x1x16xf32>,
        %get3A_592 = vector.shape_cast %get3A_591 : vector<1x1x16xf32> to vector<16xf32>
        %swap3A_593 = arith.constant 1 : i32
        %swap3A_594 = arith.index_cast %swap3A_593 : i32 to index
        %swap3A_595 = arith.index_cast %scan3A_172 : i32 to index
        %swap3A_596 = arith.constant 80 : index
        %swap3A_597 = tpu.vector_load %arg17[%swap3A_594, %swap3A_595, %swap3A_596] {strides = array<i32>} : memref<2x50x128xf32, #tpu.memory_space<vmem>>, vector<1x1x16xf32>,
        %swap3A_598 = vector.shape_cast %swap3A_597 : vector<1x1x16xf32> to vector<16xf32>
        %swap3A_599 = vector.shape_cast %get3A_592 : vector<16xf32> to vector<1x1x16xf32>
        tpu.vector_store %arg17[%swap3A_594, %swap3A_595, %swap3A_596], %swap3A_599 {strides = array<i32>} : memref<2x50x128xf32, #tpu.memory_space<vmem>>, vector<1x1x16xf32>,
        %get3A_600 = arith.constant 1 : i32
        %get3A_601 = arith.index_cast %get3A_600 : i32 to index
        %get3A_602 = arith.index_cast %scan3A_172 : i32 to index
        %get3A_603 = arith.constant 80 : index
        %get3A_604 = tpu.vector_load %arg14[%get3A_601, %get3A_602, %get3A_603] {strides = array<i32>} : memref<2x50x128xf32, #tpu.memory_space<vmem>>, vector<1x1x16xf32>,
        %get3A_605 = vector.shape_cast %get3A_604 : vector<1x1x16xf32> to vector<16xf32>
        %swap3A_606 = arith.constant 1 : i32
        %swap3A_607 = arith.index_cast %swap3A_606 : i32 to index
        %swap3A_608 = arith.index_cast %scan3A_172 : i32 to index
        %swap3A_609 = arith.constant 16 : index
        %swap3A_610 = tpu.vector_load %arg18[%swap3A_607, %swap3A_608, %swap3A_609] {strides = array<i32>} : memref<2x50x128xf32, #tpu.memory_space<vmem>>, vector<1x1x16xf32>,
        %swap3A_611 = vector.shape_cast %swap3A_610 : vector<1x1x16xf32> to vector<16xf32>
        %swap3A_612 = vector.shape_cast %get3A_605 : vector<16xf32> to vector<1x1x16xf32>
        tpu.vector_store %arg18[%swap3A_607, %swap3A_608, %swap3A_609], %swap3A_612 {strides = array<i32>} : memref<2x50x128xf32, #tpu.memory_space<vmem>>, vector<1x1x16xf32>,
        %get3A_613 = arith.constant 1 : i32
        %get3A_614 = arith.index_cast %get3A_613 : i32 to index
        %get3A_615 = arith.index_cast %scan3A_172 : i32 to index
        %get3A_616 = arith.constant 16 : index
        %get3A_617 = tpu.vector_load %arg15[%get3A_614, %get3A_615, %get3A_616] {strides = array<i32>} : memref<2x50x128xf32, #tpu.memory_space<vmem>>, vector<1x1x16xf32>,
        %get3A_618 = vector.shape_cast %get3A_617 : vector<1x1x16xf32> to vector<16xf32>
        %swap3A_619 = arith.constant 1 : i32
        %swap3A_620 = arith.index_cast %swap3A_619 : i32 to index
        %swap3A_621 = arith.index_cast %scan3A_172 : i32 to index
        %swap3A_622 = arith.constant 80 : index
        %swap3A_623 = tpu.vector_load %arg18[%swap3A_620, %swap3A_621, %swap3A_622] {strides = array<i32>} : memref<2x50x128xf32, #tpu.memory_space<vmem>>, vector<1x1x16xf32>,
        %swap3A_624 = vector.shape_cast %swap3A_623 : vector<1x1x16xf32> to vector<16xf32>
        %swap3A_625 = vector.shape_cast %get3A_618 : vector<16xf32> to vector<1x1x16xf32>
        tpu.vector_store %arg18[%swap3A_620, %swap3A_621, %swap3A_622], %swap3A_625 {strides = array<i32>} : memref<2x50x128xf32, #tpu.memory_space<vmem>>, vector<1x1x16xf32>,
        %get3A_626 = arith.constant 1 : i32
        %get3A_627 = arith.index_cast %get3A_626 : i32 to index
        %get3A_628 = arith.index_cast %scan3A_172 : i32 to index
        %get3A_629 = arith.constant 80 : index
        %get3A_630 = tpu.vector_load %arg15[%get3A_627, %get3A_628, %get3A_629] {strides = array<i32>} : memref<2x50x128xf32, #tpu.memory_space<vmem>>, vector<1x1x16xf32>,
        %get3A_631 = vector.shape_cast %get3A_630 : vector<1x1x16xf32> to vector<16xf32>
        %swap3A_632 = arith.constant 1 : i32
        %swap3A_633 = arith.index_cast %swap3A_632 : i32 to index
        %swap3A_634 = arith.index_cast %scan3A_172 : i32 to index
        %swap3A_635 = arith.constant 16 : index
        %swap3A_636 = tpu.vector_load %arg19[%swap3A_633, %swap3A_634, %swap3A_635] {strides = array<i32>} : memref<2x50x64xf32, #tpu.memory_space<vmem>>, vector<1x1x16xf32>,
        %swap3A_637 = vector.shape_cast %swap3A_636 : vector<1x1x16xf32> to vector<16xf32>
        %swap3A_638 = vector.shape_cast %get3A_631 : vector<16xf32> to vector<1x1x16xf32>
        tpu.vector_store %arg19[%swap3A_633, %swap3A_634, %swap3A_635], %swap3A_638 {strides = array<i32>} : memref<2x50x64xf32, #tpu.memory_space<vmem>>, vector<1x1x16xf32>,
        %get3A_639 = arith.constant 1 : i32
        %get3A_640 = arith.index_cast %get3A_639 : i32 to index
        %get3A_641 = arith.index_cast %scan3A_172 : i32 to index
        %get3A_642 = arith.constant 32 : index
        %get3A_643 = tpu.vector_load %arg13[%get3A_640, %get3A_641, %get3A_642] {strides = array<i32>} : memref<2x50x128xf32, #tpu.memory_space<vmem>>, vector<1x1x16xf32>,
        %get3A_644 = vector.shape_cast %get3A_643 : vector<1x1x16xf32> to vector<16xf32>
        %swap3A_645 = arith.constant 1 : i32
        %swap3A_646 = arith.index_cast %swap3A_645 : i32 to index
        %swap3A_647 = arith.index_cast %scan3A_172 : i32 to index
        %swap3A_648 = arith.constant 96 : index
        %swap3A_649 = tpu.vector_load %arg16[%swap3A_646, %swap3A_647, %swap3A_648] {strides = array<i32>} : memref<2x50x128xf32, #tpu.memory_space<vmem>>, vector<1x1x16xf32>,
        %swap3A_650 = vector.shape_cast %swap3A_649 : vector<1x1x16xf32> to vector<16xf32>
        %swap3A_651 = vector.shape_cast %get3A_644 : vector<16xf32> to vector<1x1x16xf32>
        tpu.vector_store %arg16[%swap3A_646, %swap3A_647, %swap3A_648], %swap3A_651 {strides = array<i32>} : memref<2x50x128xf32, #tpu.memory_space<vmem>>, vector<1x1x16xf32>,
        %get3A_652 = arith.constant 1 : i32
        %get3A_653 = arith.index_cast %get3A_652 : i32 to index
        %get3A_654 = arith.index_cast %scan3A_172 : i32 to index
        %get3A_655 = arith.constant 96 : index
        %get3A_656 = tpu.vector_load %arg13[%get3A_653, %get3A_654, %get3A_655] {strides = array<i32>} : memref<2x50x128xf32, #tpu.memory_space<vmem>>, vector<1x1x16xf32>,
        %get3A_657 = vector.shape_cast %get3A_656 : vector<1x1x16xf32> to vector<16xf32>
        %swap3A_658 = arith.constant 1 : i32
        %swap3A_659 = arith.index_cast %swap3A_658 : i32 to index
        %swap3A_660 = arith.index_cast %scan3A_172 : i32 to index
        %swap3A_661 = arith.constant 32 : index
        %swap3A_662 = tpu.vector_load %arg17[%swap3A_659, %swap3A_660, %swap3A_661] {strides = array<i32>} : memref<2x50x128xf32, #tpu.memory_space<vmem>>, vector<1x1x16xf32>,
        %swap3A_663 = vector.shape_cast %swap3A_662 : vector<1x1x16xf32> to vector<16xf32>
        %swap3A_664 = vector.shape_cast %get3A_657 : vector<16xf32> to vector<1x1x16xf32>
        tpu.vector_store %arg17[%swap3A_659, %swap3A_660, %swap3A_661], %swap3A_664 {strides = array<i32>} : memref<2x50x128xf32, #tpu.memory_space<vmem>>, vector<1x1x16xf32>,
        %get3A_665 = arith.constant 1 : i32
        %get3A_666 = arith.index_cast %get3A_665 : i32 to index
        %get3A_667 = arith.index_cast %scan3A_172 : i32 to index
        %get3A_668 = arith.constant 32 : index
        %get3A_669 = tpu.vector_load %arg14[%get3A_666, %get3A_667, %get3A_668] {strides = array<i32>} : memref<2x50x128xf32, #tpu.memory_space<vmem>>, vector<1x1x16xf32>,
        %get3A_670 = vector.shape_cast %get3A_669 : vector<1x1x16xf32> to vector<16xf32>
        %swap3A_671 = arith.constant 1 : i32
        %swap3A_672 = arith.index_cast %swap3A_671 : i32 to index
        %swap3A_673 = arith.index_cast %scan3A_172 : i32 to index
        %swap3A_674 = arith.constant 96 : index
        %swap3A_675 = tpu.vector_load %arg17[%swap3A_672, %swap3A_673, %swap3A_674] {strides = array<i32>} : memref<2x50x128xf32, #tpu.memory_space<vmem>>, vector<1x1x16xf32>,
        %swap3A_676 = vector.shape_cast %swap3A_675 : vector<1x1x16xf32> to vector<16xf32>
        %swap3A_677 = vector.shape_cast %get3A_670 : vector<16xf32> to vector<1x1x16xf32>
        tpu.vector_store %arg17[%swap3A_672, %swap3A_673, %swap3A_674], %swap3A_677 {strides = array<i32>} : memref<2x50x128xf32, #tpu.memory_space<vmem>>, vector<1x1x16xf32>,
        %get3A_678 = arith.constant 1 : i32
        %get3A_679 = arith.index_cast %get3A_678 : i32 to index
        %get3A_680 = arith.index_cast %scan3A_172 : i32 to index
        %get3A_681 = arith.constant 96 : index
        %get3A_682 = tpu.vector_load %arg14[%get3A_679, %get3A_680, %get3A_681] {strides = array<i32>} : memref<2x50x128xf32, #tpu.memory_space<vmem>>, vector<1x1x16xf32>,
        %get3A_683 = vector.shape_cast %get3A_682 : vector<1x1x16xf32> to vector<16xf32>
        %swap3A_684 = arith.constant 1 : i32
        %swap3A_685 = arith.index_cast %swap3A_684 : i32 to index
        %swap3A_686 = arith.index_cast %scan3A_172 : i32 to index
        %swap3A_687 = arith.constant 32 : index
        %swap3A_688 = tpu.vector_load %arg18[%swap3A_685, %swap3A_686, %swap3A_687] {strides = array<i32>} : memref<2x50x128xf32, #tpu.memory_space<vmem>>, vector<1x1x16xf32>,
        %swap3A_689 = vector.shape_cast %swap3A_688 : vector<1x1x16xf32> to vector<16xf32>
        %swap3A_690 = vector.shape_cast %get3A_683 : vector<16xf32> to vector<1x1x16xf32>
        tpu.vector_store %arg18[%swap3A_685, %swap3A_686, %swap3A_687], %swap3A_690 {strides = array<i32>} : memref<2x50x128xf32, #tpu.memory_space<vmem>>, vector<1x1x16xf32>,
        %get3A_691 = arith.constant 1 : i32
        %get3A_692 = arith.index_cast %get3A_691 : i32 to index
        %get3A_693 = arith.index_cast %scan3A_172 : i32 to index
        %get3A_694 = arith.constant 32 : index
        %get3A_695 = tpu.vector_load %arg15[%get3A_692, %get3A_693, %get3A_694] {strides = array<i32>} : memref<2x50x128xf32, #tpu.memory_space<vmem>>, vector<1x1x16xf32>,
        %get3A_696 = vector.shape_cast %get3A_695 : vector<1x1x16xf32> to vector<16xf32>
        %swap3A_697 = arith.constant 1 : i32
        %swap3A_698 = arith.index_cast %swap3A_697 : i32 to index
        %swap3A_699 = arith.index_cast %scan3A_172 : i32 to index
        %swap3A_700 = arith.constant 96 : index
        %swap3A_701 = tpu.vector_load %arg18[%swap3A_698, %swap3A_699, %swap3A_700] {strides = array<i32>} : memref<2x50x128xf32, #tpu.memory_space<vmem>>, vector<1x1x16xf32>,
        %swap3A_702 = vector.shape_cast %swap3A_701 : vector<1x1x16xf32> to vector<16xf32>
        %swap3A_703 = vector.shape_cast %get3A_696 : vector<16xf32> to vector<1x1x16xf32>
        tpu.vector_store %arg18[%swap3A_698, %swap3A_699, %swap3A_700], %swap3A_703 {strides = array<i32>} : memref<2x50x128xf32, #tpu.memory_space<vmem>>, vector<1x1x16xf32>,
        %get3A_704 = arith.constant 1 : i32
        %get3A_705 = arith.index_cast %get3A_704 : i32 to index
        %get3A_706 = arith.index_cast %scan3A_172 : i32 to index
        %get3A_707 = arith.constant 96 : index
        %get3A_708 = tpu.vector_load %arg15[%get3A_705, %get3A_706, %get3A_707] {strides = array<i32>} : memref<2x50x128xf32, #tpu.memory_space<vmem>>, vector<1x1x16xf32>,
        %get3A_709 = vector.shape_cast %get3A_708 : vector<1x1x16xf32> to vector<16xf32>
        %swap3A_710 = arith.constant 1 : i32
        %swap3A_711 = arith.index_cast %swap3A_710 : i32 to index
        %swap3A_712 = arith.index_cast %scan3A_172 : i32 to index
        %swap3A_713 = arith.constant 32 : index
        %swap3A_714 = tpu.vector_load %arg19[%swap3A_711, %swap3A_712, %swap3A_713] {strides = array<i32>} : memref<2x50x64xf32, #tpu.memory_space<vmem>>, vector<1x1x16xf32>,
        %swap3A_715 = vector.shape_cast %swap3A_714 : vector<1x1x16xf32> to vector<16xf32>
        %swap3A_716 = vector.shape_cast %get3A_709 : vector<16xf32> to vector<1x1x16xf32>
        tpu.vector_store %arg19[%swap3A_711, %swap3A_712, %swap3A_713], %swap3A_716 {strides = array<i32>} : memref<2x50x64xf32, #tpu.memory_space<vmem>>, vector<1x1x16xf32>,
        %get3A_717 = arith.constant 1 : i32
        %get3A_718 = arith.index_cast %get3A_717 : i32 to index
        %get3A_719 = arith.index_cast %scan3A_172 : i32 to index
        %get3A_720 = arith.constant 48 : index
        %get3A_721 = tpu.vector_load %arg13[%get3A_718, %get3A_719, %get3A_720] {strides = array<i32>} : memref<2x50x128xf32, #tpu.memory_space<vmem>>, vector<1x1x16xf32>,
        %get3A_722 = vector.shape_cast %get3A_721 : vector<1x1x16xf32> to vector<16xf32>
        %swap3A_723 = arith.constant 1 : i32
        %swap3A_724 = arith.index_cast %swap3A_723 : i32 to index
        %swap3A_725 = arith.index_cast %scan3A_172 : i32 to index
        %swap3A_726 = arith.constant 112 : index
        %swap3A_727 = tpu.vector_load %arg16[%swap3A_724, %swap3A_725, %swap3A_726] {strides = array<i32>} : memref<2x50x128xf32, #tpu.memory_space<vmem>>, vector<1x1x16xf32>,
        %swap3A_728 = vector.shape_cast %swap3A_727 : vector<1x1x16xf32> to vector<16xf32>
        %swap3A_729 = vector.shape_cast %get3A_722 : vector<16xf32> to vector<1x1x16xf32>
        tpu.vector_store %arg16[%swap3A_724, %swap3A_725, %swap3A_726], %swap3A_729 {strides = array<i32>} : memref<2x50x128xf32, #tpu.memory_space<vmem>>, vector<1x1x16xf32>,
        %get3A_730 = arith.constant 1 : i32
        %get3A_731 = arith.index_cast %get3A_730 : i32 to index
        %get3A_732 = arith.index_cast %scan3A_172 : i32 to index
        %get3A_733 = arith.constant 112 : index
        %get3A_734 = tpu.vector_load %arg13[%get3A_731, %get3A_732, %get3A_733] {strides = array<i32>} : memref<2x50x128xf32, #tpu.memory_space<vmem>>, vector<1x1x16xf32>,
        %get3A_735 = vector.shape_cast %get3A_734 : vector<1x1x16xf32> to vector<16xf32>
        %swap3A_736 = arith.constant 1 : i32
        %swap3A_737 = arith.index_cast %swap3A_736 : i32 to index
        %swap3A_738 = arith.index_cast %scan3A_172 : i32 to index
        %swap3A_739 = arith.constant 48 : index
        %swap3A_740 = tpu.vector_load %arg17[%swap3A_737, %swap3A_738, %swap3A_739] {strides = array<i32>} : memref<2x50x128xf32, #tpu.memory_space<vmem>>, vector<1x1x16xf32>,
        %swap3A_741 = vector.shape_cast %swap3A_740 : vector<1x1x16xf32> to vector<16xf32>
        %swap3A_742 = vector.shape_cast %get3A_735 : vector<16xf32> to vector<1x1x16xf32>
        tpu.vector_store %arg17[%swap3A_737, %swap3A_738, %swap3A_739], %swap3A_742 {strides = array<i32>} : memref<2x50x128xf32, #tpu.memory_space<vmem>>, vector<1x1x16xf32>,
        %get3A_743 = arith.constant 1 : i32
        %get3A_744 = arith.index_cast %get3A_743 : i32 to index
        %get3A_745 = arith.index_cast %scan3A_172 : i32 to index
        %get3A_746 = arith.constant 48 : index
        %get3A_747 = tpu.vector_load %arg14[%get3A_744, %get3A_745, %get3A_746] {strides = array<i32>} : memref<2x50x128xf32, #tpu.memory_space<vmem>>, vector<1x1x16xf32>,
        %get3A_748 = vector.shape_cast %get3A_747 : vector<1x1x16xf32> to vector<16xf32>
        %swap3A_749 = arith.constant 1 : i32
        %swap3A_750 = arith.index_cast %swap3A_749 : i32 to index
        %swap3A_751 = arith.index_cast %scan3A_172 : i32 to index
        %swap3A_752 = arith.constant 112 : index
        %swap3A_753 = tpu.vector_load %arg17[%swap3A_750, %swap3A_751, %swap3A_752] {strides = array<i32>} : memref<2x50x128xf32, #tpu.memory_space<vmem>>, vector<1x1x16xf32>,
        %swap3A_754 = vector.shape_cast %swap3A_753 : vector<1x1x16xf32> to vector<16xf32>
        %swap3A_755 = vector.shape_cast %get3A_748 : vector<16xf32> to vector<1x1x16xf32>
        tpu.vector_store %arg17[%swap3A_750, %swap3A_751, %swap3A_752], %swap3A_755 {strides = array<i32>} : memref<2x50x128xf32, #tpu.memory_space<vmem>>, vector<1x1x16xf32>,
        %get3A_756 = arith.constant 1 : i32
        %get3A_757 = arith.index_cast %get3A_756 : i32 to index
        %get3A_758 = arith.index_cast %scan3A_172 : i32 to index
        %get3A_759 = arith.constant 112 : index
        %get3A_760 = tpu.vector_load %arg14[%get3A_757, %get3A_758, %get3A_759] {strides = array<i32>} : memref<2x50x128xf32, #tpu.memory_space<vmem>>, vector<1x1x16xf32>,
        %get3A_761 = vector.shape_cast %get3A_760 : vector<1x1x16xf32> to vector<16xf32>
        %swap3A_762 = arith.constant 1 : i32
        %swap3A_763 = arith.index_cast %swap3A_762 : i32 to index
        %swap3A_764 = arith.index_cast %scan3A_172 : i32 to index
        %swap3A_765 = arith.constant 48 : index
        %swap3A_766 = tpu.vector_load %arg18[%swap3A_763, %swap3A_764, %swap3A_765] {strides = array<i32>} : memref<2x50x128xf32, #tpu.memory_space<vmem>>, vector<1x1x16xf32>,
        %swap3A_767 = vector.shape_cast %swap3A_766 : vector<1x1x16xf32> to vector<16xf32>
        %swap3A_768 = vector.shape_cast %get3A_761 : vector<16xf32> to vector<1x1x16xf32>
        tpu.vector_store %arg18[%swap3A_763, %swap3A_764, %swap3A_765], %swap3A_768 {strides = array<i32>} : memref<2x50x128xf32, #tpu.memory_space<vmem>>, vector<1x1x16xf32>,
        %get3A_769 = arith.constant 1 : i32
        %get3A_770 = arith.index_cast %get3A_769 : i32 to index
        %get3A_771 = arith.index_cast %scan3A_172 : i32 to index
        %get3A_772 = arith.constant 48 : index
        %get3A_773 = tpu.vector_load %arg15[%get3A_770, %get3A_771, %get3A_772] {strides = array<i32>} : memref<2x50x128xf32, #tpu.memory_space<vmem>>, vector<1x1x16xf32>,
        %get3A_774 = vector.shape_cast %get3A_773 : vector<1x1x16xf32> to vector<16xf32>
        %swap3A_775 = arith.constant 1 : i32
        %swap3A_776 = arith.index_cast %swap3A_775 : i32 to index
        %swap3A_777 = arith.index_cast %scan3A_172 : i32 to index
        %swap3A_778 = arith.constant 112 : index
        %swap3A_779 = tpu.vector_load %arg18[%swap3A_776, %swap3A_777, %swap3A_778] {strides = array<i32>} : memref<2x50x128xf32, #tpu.memory_space<vmem>>, vector<1x1x16xf32>,
        %swap3A_780 = vector.shape_cast %swap3A_779 : vector<1x1x16xf32> to vector<16xf32>
        %swap3A_781 = vector.shape_cast %get3A_774 : vector<16xf32> to vector<1x1x16xf32>
        tpu.vector_store %arg18[%swap3A_776, %swap3A_777, %swap3A_778], %swap3A_781 {strides = array<i32>} : memref<2x50x128xf32, #tpu.memory_space<vmem>>, vector<1x1x16xf32>,
        %get3A_782 = arith.constant 1 : i32
        %get3A_783 = arith.index_cast %get3A_782 : i32 to index
        %get3A_784 = arith.index_cast %scan3A_172 : i32 to index
        %get3A_785 = arith.constant 112 : index
        %get3A_786 = tpu.vector_load %arg15[%get3A_783, %get3A_784, %get3A_785] {strides = array<i32>} : memref<2x50x128xf32, #tpu.memory_space<vmem>>, vector<1x1x16xf32>,
        %get3A_787 = vector.shape_cast %get3A_786 : vector<1x1x16xf32> to vector<16xf32>
        %swap3A_788 = arith.constant 1 : i32
        %swap3A_789 = arith.index_cast %swap3A_788 : i32 to index
        %swap3A_790 = arith.index_cast %scan3A_172 : i32 to index
        %swap3A_791 = arith.constant 48 : index
        %swap3A_792 = tpu.vector_load %arg19[%swap3A_789, %swap3A_790, %swap3A_791] {strides = array<i32>} : memref<2x50x64xf32, #tpu.memory_space<vmem>>, vector<1x1x16xf32>,
        %swap3A_793 = vector.shape_cast %swap3A_792 : vector<1x1x16xf32> to vector<16xf32>
        %swap3A_794 = vector.shape_cast %get3A_787 : vector<16xf32> to vector<1x1x16xf32>
        tpu.vector_store %arg19[%swap3A_789, %swap3A_790, %swap3A_791], %swap3A_794 {strides = array<i32>} : memref<2x50x64xf32, #tpu.memory_space<vmem>>, vector<1x1x16xf32>,
      }
      %scan3A_171 = arith.constant 50 : i32
      "tpu.region"() ({
        %run_scoped3A = tpu.sem_alloc : memref<!tpu.dma_semaphore, #tpu.memory_space<semaphore_mem>>
        %dma_start3A_172 = arith.constant 0 : i32
        %dma_start3A_173 = arith.constant 0 : i32
        %dma_start3A_174 = tpu.memref_slice %arg9[%add3A_11, %dma_start3A_172, %dma_start3A_173] : memref<16384x50x448xf32, #tpu.memory_space<hbm>> -> memref<2x50x128xf32, #tpu.memory_space<hbm>>
        %dma_start3A_175 = arith.constant 0 : i32
        %dma_start3A_176 = arith.constant 0 : i32
        %dma_start3A_177 = tpu.memref_slice %arg9[%add3A_11, %dma_start3A_175, %dma_start3A_176] : memref<16384x50x448xf32, #tpu.memory_space<hbm>> -> memref<2x50x128xf32, #tpu.memory_space<hbm>>
        tpu.enqueue_dma source(%arg16 : memref<2x50x128xf32, #tpu.memory_space<vmem>>) target(%dma_start3A_177 : memref<2x50x128xf32, #tpu.memory_space<hbm>>) target_semaphore(%run_scoped3A : memref<!tpu.dma_semaphore, #tpu.memory_space<semaphore_mem>>)
        %dma_wait3A_178 = arith.constant 0 : i32
        %dma_wait3A_179 = arith.constant 0 : i32
        %dma_wait3A_180 = tpu.memref_slice %arg9[%add3A_11, %dma_wait3A_178, %dma_wait3A_179] : memref<16384x50x448xf32, #tpu.memory_space<hbm>> -> memref<2x50x128xf32, #tpu.memory_space<hbm>>
        %dma_wait3A_181 = arith.constant 0 : i32
        %dma_wait3A_182 = arith.constant 0 : i32
        %dma_wait3A_183 = tpu.memref_slice %arg9[%add3A_11, %dma_wait3A_181, %dma_wait3A_182] : memref<16384x50x448xf32, #tpu.memory_space<hbm>> -> memref<2x50x128xf32, #tpu.memory_space<hbm>>
        tpu.wait_dma2 semaphore(%run_scoped3A : memref<!tpu.dma_semaphore, #tpu.memory_space<semaphore_mem>>) src(%arg16 : memref<2x50x128xf32, #tpu.memory_space<vmem>>) dst(%dma_wait3A_183 : memref<2x50x128xf32, #tpu.memory_space<hbm>>)
        tpu.yield
      }) : () -> ()
      "tpu.region"() ({
        %run_scoped3A = tpu.sem_alloc : memref<!tpu.dma_semaphore, #tpu.memory_space<semaphore_mem>>
        %dma_start3A_172 = arith.constant 0 : i32
        %dma_start3A_173 = arith.constant 128 : i32
        %dma_start3A_174 = tpu.memref_slice %arg9[%add3A_11, %dma_start3A_172, %dma_start3A_173] : memref<16384x50x448xf32, #tpu.memory_space<hbm>> -> memref<2x50x128xf32, #tpu.memory_space<hbm>>
        %dma_start3A_175 = arith.constant 0 : i32
        %dma_start3A_176 = arith.constant 128 : i32
        %dma_start3A_177 = tpu.memref_slice %arg9[%add3A_11, %dma_start3A_175, %dma_start3A_176] : memref<16384x50x448xf32, #tpu.memory_space<hbm>> -> memref<2x50x128xf32, #tpu.memory_space<hbm>>
        tpu.enqueue_dma source(%arg17 : memref<2x50x128xf32, #tpu.memory_space<vmem>>) target(%dma_start3A_177 : memref<2x50x128xf32, #tpu.memory_space<hbm>>) target_semaphore(%run_scoped3A : memref<!tpu.dma_semaphore, #tpu.memory_space<semaphore_mem>>)
        %dma_wait3A_178 = arith.constant 0 : i32
        %dma_wait3A_179 = arith.constant 128 : i32
        %dma_wait3A_180 = tpu.memref_slice %arg9[%add3A_11, %dma_wait3A_178, %dma_wait3A_179] : memref<16384x50x448xf32, #tpu.memory_space<hbm>> -> memref<2x50x128xf32, #tpu.memory_space<hbm>>
        %dma_wait3A_181 = arith.constant 0 : i32
        %dma_wait3A_182 = arith.constant 128 : i32
        %dma_wait3A_183 = tpu.memref_slice %arg9[%add3A_11, %dma_wait3A_181, %dma_wait3A_182] : memref<16384x50x448xf32, #tpu.memory_space<hbm>> -> memref<2x50x128xf32, #tpu.memory_space<hbm>>
        tpu.wait_dma2 semaphore(%run_scoped3A : memref<!tpu.dma_semaphore, #tpu.memory_space<semaphore_mem>>) src(%arg17 : memref<2x50x128xf32, #tpu.memory_space<vmem>>) dst(%dma_wait3A_183 : memref<2x50x128xf32, #tpu.memory_space<hbm>>)
        tpu.yield
      }) : () -> ()
      "tpu.region"() ({
        %run_scoped3A = tpu.sem_alloc : memref<!tpu.dma_semaphore, #tpu.memory_space<semaphore_mem>>
        %dma_start3A_172 = arith.constant 0 : i32
        %dma_start3A_173 = arith.constant 256 : i32
        %dma_start3A_174 = tpu.memref_slice %arg9[%add3A_11, %dma_start3A_172, %dma_start3A_173] : memref<16384x50x448xf32, #tpu.memory_space<hbm>> -> memref<2x50x128xf32, #tpu.memory_space<hbm>>
        %dma_start3A_175 = arith.constant 0 : i32
        %dma_start3A_176 = arith.constant 256 : i32
        %dma_start3A_177 = tpu.memref_slice %arg9[%add3A_11, %dma_start3A_175, %dma_start3A_176] : memref<16384x50x448xf32, #tpu.memory_space<hbm>> -> memref<2x50x128xf32, #tpu.memory_space<hbm>>
        tpu.enqueue_dma source(%arg18 : memref<2x50x128xf32, #tpu.memory_space<vmem>>) target(%dma_start3A_177 : memref<2x50x128xf32, #tpu.memory_space<hbm>>) target_semaphore(%run_scoped3A : memref<!tpu.dma_semaphore, #tpu.memory_space<semaphore_mem>>)
        %dma_wait3A_178 = arith.constant 0 : i32
        %dma_wait3A_179 = arith.constant 256 : i32
        %dma_wait3A_180 = tpu.memref_slice %arg9[%add3A_11, %dma_wait3A_178, %dma_wait3A_179] : memref<16384x50x448xf32, #tpu.memory_space<hbm>> -> memref<2x50x128xf32, #tpu.memory_space<hbm>>
        %dma_wait3A_181 = arith.constant 0 : i32
        %dma_wait3A_182 = arith.constant 256 : i32
        %dma_wait3A_183 = tpu.memref_slice %arg9[%add3A_11, %dma_wait3A_181, %dma_wait3A_182] : memref<16384x50x448xf32, #tpu.memory_space<hbm>> -> memref<2x50x128xf32, #tpu.memory_space<hbm>>
        tpu.wait_dma2 semaphore(%run_scoped3A : memref<!tpu.dma_semaphore, #tpu.memory_space<semaphore_mem>>) src(%arg18 : memref<2x50x128xf32, #tpu.memory_space<vmem>>) dst(%dma_wait3A_183 : memref<2x50x128xf32, #tpu.memory_space<hbm>>)
        tpu.yield
      }) : () -> ()
      "tpu.region"() ({
        %run_scoped3A = tpu.sem_alloc : memref<!tpu.dma_semaphore, #tpu.memory_space<semaphore_mem>>
        %dma_start3A_172 = arith.constant 0 : i32
        %dma_start3A_173 = arith.constant 384 : i32
        %dma_start3A_174 = tpu.memref_slice %arg9[%add3A_11, %dma_start3A_172, %dma_start3A_173] : memref<16384x50x448xf32, #tpu.memory_space<hbm>> -> memref<2x50x64xf32, #tpu.memory_space<hbm>>
        %dma_start3A_175 = arith.constant 0 : i32
        %dma_start3A_176 = arith.constant 384 : i32
        %dma_start3A_177 = tpu.memref_slice %arg9[%add3A_11, %dma_start3A_175, %dma_start3A_176] : memref<16384x50x448xf32, #tpu.memory_space<hbm>> -> memref<2x50x64xf32, #tpu.memory_space<hbm>>
        tpu.enqueue_dma source(%arg19 : memref<2x50x64xf32, #tpu.memory_space<vmem>>) target(%dma_start3A_177 : memref<2x50x64xf32, #tpu.memory_space<hbm>>) target_semaphore(%run_scoped3A : memref<!tpu.dma_semaphore, #tpu.memory_space<semaphore_mem>>)
        %dma_wait3A_178 = arith.constant 0 : i32
        %dma_wait3A_179 = arith.constant 384 : i32
        %dma_wait3A_180 = tpu.memref_slice %arg9[%add3A_11, %dma_wait3A_178, %dma_wait3A_179] : memref<16384x50x448xf32, #tpu.memory_space<hbm>> -> memref<2x50x64xf32, #tpu.memory_space<hbm>>
        %dma_wait3A_181 = arith.constant 0 : i32
        %dma_wait3A_182 = arith.constant 384 : i32
        %dma_wait3A_183 = tpu.memref_slice %arg9[%add3A_11, %dma_wait3A_181, %dma_wait3A_182] : memref<16384x50x448xf32, #tpu.memory_space<hbm>> -> memref<2x50x64xf32, #tpu.memory_space<hbm>>
        tpu.wait_dma2 semaphore(%run_scoped3A : memref<!tpu.dma_semaphore, #tpu.memory_space<semaphore_mem>>) src(%arg19 : memref<2x50x64xf32, #tpu.memory_space<vmem>>) dst(%dma_wait3A_183 : memref<2x50x64xf32, #tpu.memory_space<hbm>>)
        tpu.yield
      }) : () -> ()
    }
    %scan3A_7 = arith.constant 256 : i32
    return
  }
}

</mosaic_0001>

<sc_bundles>
// kernel: kernel.3.cloned.1.call-start
scs
__scs_entry_jumppad:
0x0: {  	(pc) =	sbr.rel $0x88, $3  }
0x1: {  	(tag) =	ssettag $0x0;
	lr =	simm.s32 $0x1  }
0x2: {  	[smem:$0x3F9A] =	sst lr;
	_ =	strace $0xD0000000  }
0x3: {  	_ = 	snop  }
0x4: {  	_ = 	snop  }
0x5: {  	_ = 	snop  }
0x6: {  	_ = 	snop  }
0x7: {  	_ = 	snop  }
__scs_overlays_trampoline_lowered:
0x8: {  	[smem:$0x3FA9] =	sst s0  }
0x9: {  	[smem:$0x3FAA] =	sst s1  }
0xa: {  	[smem:$0x3FAB] =	sst s2  }
0xb: {  	[smem:$0x3FAC] =	sst s3  }
0xc: {  	[smem:$0x3FAD] =	sst s4  }
0xd: {  	[smem:$0x3FAE] =	sst s5  }
0xe: {  	[smem:$0x3FAF] =	sst s6  }
0xf: {  	[smem:$0x3FB0] =	sst s7  }
0x10: {  	[smem:$0x3FB1] =	sst s8  }
0x11: {  	[smem:$0x3FB2] =	sst s9;
	s0 =	simm.s32 @!p0 $0x0  }
0x12: {  	s1 =	sld [smem:$0x3F98];
	s0 =	simm.s32 @p0 $0x1  }
0x13: {  	[smem:$0x3FB3] =	sst s0;
	s0 =	simm.s32 @!p1 $0x0  }
0x14: {  	s2 =	sld [smem:$0x3F97];
	s0 =	simm.s32 @p1 $0x1  }
0x15: {  	[smem:$0x3FB4] =	sst s0;
	s0 =	simm.s32 @!p2 $0x0  }
0x16: {  	s3 =	sld [smem:$0x3FDB];
	s0 =	simm.s32 @p2 $0x1  }
0x17: {  	s4 =	simm.s32 $0x1BF5;
	[smem:$0x3FB6] =	sst s0  }
0x18: {  	s0 =	sld [smem:$0x3F99];
	_ =	swait.ge [sflag:s4], $0x0  }
0x19: {  	s7 =	sld [smem:$0x3F9A]  }
0x1a: {  	s8 =	sadd.s32 $0xFFFFE003, lr  }
0x1b: {  	s9 =	sadd.s32 $0xFFFFFEF7, lr;
	s5 =	simm.s32 $0xFFFFFFFF;
	p2 =	slt.u32 s8, $0xFFFFF086  }
0x1c: {  	p1 =	slt.u32 s9, $0xF7A;
	s5 =	simm.s32 @!p2 $0x0  }
0x1d: {  	s5 =	simm.s32 @p1 $0x1;
	p0 =	seq.s32 s7, s2  }
0x1e: {  	s7 =	smul.u32 @!p0 $0xF7A, s2;
	p2 =	seq.s32 @!p0 s5, $0x0  }
0x1f: {  	s9 =	smul.u32 $0xF7A, s1;
	s8 =	simm.s32 @!p0 $0x1BF5;
	p2 =	por !p2, p0  }
0x20: {  	[sflag:s8] =	ssyncset.s32 @!p0 $0xFFFFF086;
	s6 =	sadd.s32 @!p0 s3, s7;
	s7 =	simm.s32 @!p0 $0x108  }
0x21: {  	s3 =	sadd.s32 s3, s9;
	s6 =	sadd.s32 @!p0 $0x88, s6;
	s7 =	simm.s32 @p2 $0x1082  }
0x22: {  	[simem:s7], [sflag:s8] =	dma.local @!p0 [hbm:s6], $0xF7A  }
0x23: {  	s9 =	sor.u32 $0xD0000000, s2;
	s6 =	simm.s32 $0x108;
	_ =	swait.ge @!p0 [sflag:s8], $0x0  }
0x24: {  	s3 =	sadd.s32 $0x88, s3;
	s6 =	simm.s32 @!p1 $0x1082;
	[sflag:s4] =	ssyncset.s32 $0xFFFFF086  }
0x25: {  	[simem:s6], [sflag:s4] =	dma.local [hbm:s3], $0xF7A  }
0x26: {  	[smem:$0x3F9A] =	sst s1;
	(tag) =	ssettag s2;
	_ =	strace s9  }
0x27: {  	s1 =	sld [smem:$0x3FAA]  }
0x28: {  	s2 =	sld [smem:$0x3FAB]  }
0x29: {  	s4 =	sld [smem:$0x3FAD]  }
0x2a: {  	p0 =	seq.s32 s5, $0x0;
	s5 =	sld [smem:$0x3FAE]  }
0x2b: {  	s6 =	sld [smem:$0x3FAF]  }
0x2c: {  	s7 =	sld [smem:$0x3FB0]  }
0x2d: {  	s3 =	simm.s32 $0x108;
	s8 =	sld [smem:$0x3FB1]  }
0x2e: {  	s3 =	simm.s32 @!p0 $0x1082;
	s9 =	sld [smem:$0x3FB2]  }
0x2f: {  	lr =	sadd.s32 s0, s3;
	s0 =	sld [smem:$0x3FA9]  }
0x30: {  	s3 =	sld [smem:$0x3FAC]  }
0x31: {  	[smem:$0x3FB5] =	sst s10  }
0x32: {  	s10 =	sld [smem:$0x3FB3];
	_ =	sdelay $0x3  }
0x33: {  	p0 =	seq.s32 s10, $0x1;
	s10 =	sld [smem:$0x3FB5];
	_ =	sdelay $0x3  }
0x34: {  	[smem:$0x3FB5] =	sst s10  }
0x35: {  	s10 =	sld [smem:$0x3FB4];
	_ =	sdelay $0x3  }
0x36: {  	p1 =	seq.s32 s10, $0x1;
	s10 =	sld [smem:$0x3FB5];
	_ =	sdelay $0x3  }
0x37: {  	[smem:$0x3FB5] =	sst s10  }
0x38: {  	s10 =	sld [smem:$0x3FB6]  }
0x39: {  	_ = 	snop;
	(pc) =	sbr.ind lr, $3  }
0x3a: {  	_ = 	snop  }
0x3b: {  	_ = 	snop  }
0x3c: {  	p2 =	seq.s32 s10, $0x1;
	s10 =	sld [smem:$0x3FB5]  }
0x3d: {  	_ =	shalt  }
0x3e: {  	_ =	shalt  }
0x3f: {  	_ =	shalt  }
0x40: {  	_ =	shalt  }
0x41: {  	_ =	shalt  }
0x42: {  	_ =	shalt  }
0x43: {  	_ =	shalt  }
0x44: {  	_ =	shalt  }
0x45: {  	_ =	shalt  }
0x46: {  	_ =	shalt  }
0x47: {  	_ =	shalt  }
0x48: {  	_ =	shalt  }
0x49: {  	_ =	shalt  }
0x4a: {  	_ =	shalt  }
0x4b: {  	_ =	shalt  }
0x4c: {  	_ =	shalt  }
0x4d: {  	_ =	shalt  }
0x4e: {  	_ =	shalt  }
0x4f: {  	_ =	shalt  }
0x50: {  	_ =	shalt  }
0x51: {  	_ =	shalt  }
0x52: {  	_ =	shalt  }
0x53: {  	_ =	shalt  }
0x54: {  	_ =	shalt  }
0x55: {  	_ =	shalt  }
0x56: {  	_ =	shalt  }
0x57: {  	_ =	shalt  }
0x58: {  	_ =	shalt  }
0x59: {  	_ =	shalt  }
0x5a: {  	_ =	shalt  }
0x5b: {  	_ =	shalt  }
0x5c: {  	_ =	shalt  }
0x5d: {  	_ =	shalt  }
0x5e: {  	_ =	shalt  }
0x5f: {  	_ =	shalt  }
0x60: {  	_ =	shalt  }
0x61: {  	_ =	shalt  }
0x62: {  	_ =	shalt  }
0x63: {  	_ =	shalt  }
0x64: {  	_ =	shalt  }
0x65: {  	_ =	shalt  }
0x66: {  	_ =	shalt  }
0x67: {  	_ =	shalt  }
0x68: {  	_ =	shalt  }
0x69: {  	_ =	shalt  }
0x6a: {  	_ =	shalt  }
0x6b: {  	_ =	shalt  }
0x6c: {  	_ =	shalt  }
0x6d: {  	_ =	shalt  }
0x6e: {  	_ =	shalt  }
0x6f: {  	_ =	shalt  }
0x70: {  	_ =	shalt  }
0x71: {  	_ =	shalt  }
0x72: {  	_ =	shalt  }
0x73: {  	_ =	shalt  }
0x74: {  	_ =	shalt  }
0x75: {  	_ =	shalt  }
0x76: {  	_ =	shalt  }
0x77: {  	_ =	shalt  }
0x78: {  	_ =	shalt  }
0x79: {  	_ =	shalt  }
0x7a: {  	_ =	shalt  }
0x7b: {  	_ =	shalt  }
0x7c: {  	_ =	shalt  }
0x7d: {  	_ =	shalt  }
0x7e: {  	_ =	shalt  }
0x7f: {  	_ =	shalt  }
0x80: {  	_ =	shalt  }
0x81: {  	_ =	shalt  }
0x82: {  	_ =	shalt  }
0x83: {  	_ =	shalt  }
0x84: {  	_ =	shalt  }
0x85: {  	_ =	shalt  }
0x86: {  	_ =	shalt  }
0x87: {  	_ =	shalt  }
.Lfunc_end0:
.L_simem_size_0:
called_computation_lowered:
.L_overlay_start_0:
0x88: {  	s2 =	sld [smem:$0x3FD9]  }
0x89: {  	s3 =	sld [smem:$0x3FFE];
	_ =	sdelay $0x1  }
0x8a: {  	s1 =	srdreg.scid  }
0x8b: {  	s0 =	sand.u32 $0x1, s1  }
0x8c: {  	s17 =	sshll.u32 s0, $0xA;
	s2 =	sadd.s32 s3, s2  }
0x8d: {  	s2 =	sadd.s32 s2, s17  }
0x8e: {  	[smem:$0x3FC1] =	sst s2  }
0x8f: {  	_ = 	snop  }
0x90: {  	s2 =	sld [smem:$0x3FC5]  }
0x91: {  	s18 =	sld [smem:$0x3FC4]  }
0x92: {  	s4 =	sld [smem:$0x3FC3];
	(tm) =	ssettm $0x1  }
0x93: {  	s5 =	sld [smem:$0x3FFB];
	_ =	sdelay $0x3  }
0x94: {  	_ =	strace s5  }
0x95: {  	s5 =	sld [smem:$0x3FFC];
	_ =	sdelay $0x3  }
0x96: {  	_ =	strace s5  }
0x97: {  	s5 =	sld [smem:$0x3FFD];
	_ =	sdelay $0x3  }
0x98: {  	_ =	strace s5  }
0x99: {  	_ =	strace $0x8FFFFFFF  }
0x9a: {  	s19 =	sld [smem:$0x3FDB];
	_ =	sdelay $0x1  }
0x9b: {  	s6 =	simm.s32 $_scs_section_size  }
0x9c: {  	s7 =	simm.s32 $_size__tile_overlayer_lowered;
	s8 =	simm.s32 $_tile_overlayer_lowered  }
0x9d: {  	s22 =	simm.s32 $0x1BFF;
	s21 =	sshll.u32 s8, $0x1;
	s5 =	sadd.s32 s6, s19  }
0x9e: {  	s9 =	simm.s32 $0x0;
	s20 =	sshll.u32 s7, $0x1;
	s7 =	sadd.s32 s21, s5  }
0x9f: {  	[timem:s9], [sflag:s22] =	dma.local [hbm:s7], s20  }
0xa0: {  	_ =	swait.ge [sflag:s22], s20  }
0xa1: {  	s6 =	ssub.s32 $0x0, s20;
	[sflag:s22] =	ssyncset.done $0x0  }
0xa2: {  	[sflag:s22] =	ssyncadd.s32 s6;
	_ =	sdelay $0x1  }
0xa3: {  	s23 =	simm.s32 $0x1B8B  }
0xa4: {  	_ =	swait.ge [sflag:s23], $0x1  }
0xa5: {  	[sflag:s23] =	ssyncset.done $0x0  }
0xa6: {  	s25 =	simm.s32 $0x1B8E;
	s24 =	sld [smem:$0x3FFE];
	[sflag:s23] =	ssyncadd.s32 $0xFFFFFFFF  }
0xa7: {  	s26 =	simm.s32 $execute0_lowered;
	[smem:$0x3FD2] =	sst s25  }
0xa8: {  	s7 =	sshll.u32 s26, $0x1;
	_ =	strace $0x80000046;
	[dreg:$0x1] =	wrdreg $0xFFFFFFFF  }
0xa9: {  	s28 =	simm.s32 $_size_execute0_lowered;
	s5 =	sadd.s32 s5, s7;
	[dreg:$0x0] =	wrdreg $0x0  }
0xaa: {  	s7 =	sshll.u32 s28, $0x1;
	[dreg:$0x2] =	wrdreg s5  }
0xab: {  	[dreg:$0x3] =	wrdreg s7  }
0xac: {  	[dreg:$0x4] =	wrdreg $0xC0  }
0xad: {  	_ =	task [dreg:s9], $0x5FFFF  }
0xae: {  	[dreg:$0x1] =	wrdreg $0xFFFFFFFF  }
0xaf: {  	[dreg:$0x0] =	wrdreg $0x60  }
0xb0: {  	[dreg:$0x2] =	wrdreg s24  }
0xb1: {  	[dreg:$0x3] =	wrdreg s2  }
0xb2: {  	[dreg:$0x4] =	wrdreg s18  }
0xb3: {  	[dreg:$0x5] =	wrdreg s4  }
0xb4: {  	[dreg:$0x6] =	wrdreg $0x9  }
0xb5: {  	_ =	task.clear_ibuf [dreg:s9], $0x7FFFF;
	_ =	strace $0x90000046  }
0xb6: {  	s29 =	simm.s32 $0x9;
	_ =	strace $0x80000048  }
0xb7: {  	_ =	swait.ge [sflag:s29], $0x1  }
0xb8: {  	[sflag:s29] =	ssyncadd.s32 $0xFFFFFFFF  }
0xb9: {  	_ =	strace $0x90000048  }
0xba: {  	_ =	sfence  }
0xbb: {  	s30 =	sld [smem:$0x0];
	_ =	sdelay $0x2  }
0xbc: {  	s31 =	sshll.u32 s1, $0xD;
	s1 =	sshrl.u32 s1, $0x2  }
0xbd: {  	s3 =	sand.u32 $0x4000, s31;
	s1 =	sadd.s32 s1, s30  }
0xbe: {  	s0 =	sor.u32 s3, s0;
	s1 =	sshll.u32 s1, $0x11  }
0xbf: {  	s0 =	sor.u32 s1, s0  }
0xc0: {  	s0 =	sadd.s32 $0x8F2B, s0  }
0xc1: {  	[sflag:s0] =	ssyncadd.remote.s32 $0x1  }
0xc2: {  	_ =	sfence.sel $0xFFFF  }
0xc3: {  	[dreg:$0x0] =	wrdreg $0xFFFFFFFF;
	(pc) =	sbr.abs _section_cstart, $3  }
0xc4: {  	[dreg:$0x1] =	wrdreg $0xFFFFFFFF  }
0xc5: {  	_ =	task.clear_ibuf [dreg:s9], $0x2FFFF;
	_ =	strace $0x9FFFFFFF  }
0xc6: {  	(tm) =	ssettm $0x7FFFFFFF  }
0xc7: {  	_ =	shalt  }
tec
execute0_lowered:
.L_overlay_start_1:
0x0: {  	(tag) =	ssettag $0x1  }
0x1: {  	s0 =	rddreg [dreg:$0x0]  }
0x2: {  	s1 =	rddreg [dreg:$0x1]  }
0x3: {  	s2 =	rddreg [dreg:$0x2]  }
0x4: {  	s3 =	rddreg [dreg:$0x3]  }
0x5: {  	s4 =	simm.s32 $0x0;
	s7 =	srdreg.scid;
	s13 =	stileid.u32  }
0x6: {  	s16 =	simm.s32 $0x2;
	s17 =	simm.s32 $0x100;
	s18 =	simm.s32 $0x200  }
0x7: {  	s19 =	simm.s32 $0xAB00;
	s20 =	simm.s32 $0xC700;
	s21 =	simm.s32 $0x32  }
0x8: {  	s23 =	simm.s32 $0x15300;
	s24 =	simm.s32 $0x16F00;
	s25 =	simm.s32 $0x16B00  }
0x9: {  	s26 =	simm.s32 $0x18700;
	s28 =	simm.s32 $0x0;
	[smem:$0x7FF] =	sst s4  }
0xa: {  	s5 =	sadd.s32 $0xC0800, s0;
	s6 =	sadd.s32 $0x800, s0;
	s8 =	sadd.s32 $0x40800, s0  }
0xb: {  	s9 =	sadd.s32 $0x80800, s0;
	s7 =	sand.u32 $0x1, s7;
	s10 =	sadd.s32 $0xEC0800, s0  }
0xc: {  	s13 =	sshll.u32 s13, $0xA;
	s14 =	sadd.s32 $0xEC0980, s0;
	s11 =	ssub.s32 $0x2, s7  }
0xd: {  	_ =	strace $0x80000047;
	s7 =	sshll.u32 s7, $0x9;
	s12 =	sshrl.u32 s11, $0x1  }
0xe: {  	s15 =	ssub.s32 s11, s12;
	s11 =	sor.u32 s7, s13;
	s12 =	sadd.s32 $0xEC0880, s0  }
0xf: {  	s13 =	sadd.s32 $0xEC0900, s0;
	s0 =	simm.s32 $0x1;
	s31 =	smax.u32 s15, $0x1  }
0x10: {  	s7 =	simm.s32 $0x400;
	s15 =	simm.s32 $0x1000;
	[dreg:$0x5] =	wrdreg s31  }
.LBB2_1:
0x11: {  	[dreg:$0x6] =	wrdreg s28;
	s28 =	simm.s32 $0x0  }
.LBB2_2:
0x12: {  	s22 =	sshll.u32 s28, $0x1  }
0x13: {  	s29 =	sadd.s32 s11, s22  }
0x14: {  	s30 =	sshll.u32 s28, $0x5;
	s22 =	sshll.u32 s29, $0x4  }
0x15: {  	s30 =	sand.u32 $0x60, s30;
	s22 =	sand.u32 $0x3FF80, s22  }
0x16: {  	s22 =	sor.u32 s30, s22  }
0x17: {  	s31 =	simm.s32 $0x0;
	s30 =	sadd.s32 s6, s22  }
0x18: {  	[tilespmem:s31], [sflag:$0x2] =	stream.linear.gather [hbm4b:s30+s31], $0x100, $0x38;
	[tilespmem:$0x18B00] =	vst v63  }
0x19: {  	_ =	swait.ge [sflag:s16], $0x100  }
0x1a: {  	[sflag:s16] =	ssyncset.done $0x0  }
0x1b: {  	s30 =	sadd.s32 s8, s22;
	[sflag:s16] =	ssyncadd.s32 $0xFFFFFF00  }
0x1c: {  	[tilespmem:s17], [sflag:$0x2] =	stream.linear.gather [hbm4b:s30+s31], $0x100, $0x38;
	[tilespmem:$0x18B00] =	vst v63  }
0x1d: {  	_ =	swait.ge [sflag:s16], $0x100  }
0x1e: {  	[sflag:s16] =	ssyncset.done $0x0  }
0x1f: {  	s22 =	sadd.s32 s9, s22;
	[sflag:s16] =	ssyncadd.s32 $0xFFFFFF00  }
0x20: {  	[tilespmem:s18], [sflag:$0x2] =	stream.linear.gather [hbm4b:s22+s31], $0x100, $0x38;
	[tilespmem:$0x18B00] =	vst v63  }
0x21: {  	s22 =	smul.u32 $0x380, s29;
	_ =	swait.ge [sflag:s16], $0x100  }
0x22: {  	[sflag:s16] =	ssyncset.done $0x0  }
0x23: {  	s22 =	sadd.s32 s5, s22;
	[sflag:s16] =	ssyncadd.s32 $0xFFFFFF00  }
0x24: {  	[tilespmem:s19], [sflag:$0x1] =	stream.linear.gather [hbm4b:s22+s31], $0x1900, $0x38;
	[tilespmem:$0x18B00] =	vst v63  }
0x25: {  	s22 =	sadd.s32 $0x380, s22  }
0x26: {  	[tilespmem:s20], [sflag:$0x1] =	stream.linear.gather [hbm4b:s22+s31], $0x1900, $0x38;
	[tilespmem:$0x18B00] =	vst v63  }
0x27: {  	s22 =	simm.s32 $0x300  }
0x28: {  	[tilespmem:s22], [sflag:$0x1] =	stream.indirect.gather [hbm4b:s1+s21], $0x80, s31, s21, $0xb8;
	[tilespmem:$0x18B00] =	vst v63  }
0x29: {  	s22 =	simm.s32 $0x3B00  }
0x2a: {  	[tilespmem:s22], [sflag:$0x1] =	stream.indirect.gather [hbm4b:s2+s21], $0x80, s17, s21, $0xb8;
	[tilespmem:$0x18B00] =	vst v63  }
0x2b: {  	s22 =	simm.s32 $0x7300  }
0x2c: {  	[tilespmem:s22], [sflag:$0x1] =	stream.indirect.gather [hbm4b:s3+s21], $0x80, s18, s21, $0xb8;
	[tilespmem:$0x18B00] =	vst v63  }
0x2d: {  	s30 =	simm.s32 $0x1F00;
	s22 =	simm.s32 $0x80  }
0x2e: {  	[tilespmem:s30], [sflag:$0x1] =	stream.indirect.gather [hbm4b:s1+s21], $0x80, s22, s21, $0xb8;
	[tilespmem:$0x18B00] =	vst v63  }
0x2f: {  	s22 =	simm.s32 $0x180;
	s30 =	simm.s32 $0x5700  }
0x30: {  	[tilespmem:s30], [sflag:$0x1] =	stream.indirect.gather [hbm4b:s2+s21], $0x80, s22, s21, $0xb8;
	[tilespmem:$0x18B00] =	vst v63  }
0x31: {  	s22 =	simm.s32 $0x280;
	s30 =	simm.s32 $0x8F00  }
0x32: {  	[tilespmem:s30], [sflag:$0x1] =	stream.indirect.gather [hbm4b:s3+s21], $0x80, s22, s21, $0xb8;
	[tilespmem:$0x18B00] =	vst v63  }
0x33: {  	_ =	swait.ge [sflag:s0], $0x3200  }
0x34: {  	[sflag:s0] =	ssyncset.done $0x0  }
0x35: {  	[sflag:s0] =	ssyncadd.s32 $0xFFFFCE00  }
0x36: {  	_ =	swait.ge [sflag:s0], $0x1900  }
0x37: {  	[sflag:s0] =	ssyncset.done $0x0  }
0x38: {  	[sflag:s0] =	ssyncadd.s32 $0xFFFFE700  }
0x39: {  	_ =	swait.ge [sflag:s0], $0x1900  }
0x3a: {  	[sflag:s0] =	ssyncset.done $0x0  }
0x3b: {  	[sflag:s0] =	ssyncadd.s32 $0xFFFFE700  }
0x3c: {  	_ =	swait.ge [sflag:s0], $0x1900  }
0x3d: {  	[sflag:s0] =	ssyncset.done $0x0  }
0x3e: {  	[sflag:s0] =	ssyncadd.s32 $0xFFFFE700  }
0x3f: {  	_ =	swait.ge [sflag:s0], $0x1900  }
0x40: {  	[sflag:s0] =	ssyncset.done $0x0  }
0x41: {  	[sflag:s0] =	ssyncadd.s32 $0xFFFFE700  }
0x42: {  	_ =	swait.ge [sflag:s0], $0x1900  }
0x43: {  	[sflag:s0] =	ssyncset.done $0x0  }
0x44: {  	[sflag:s0] =	ssyncadd.s32 $0xFFFFE700  }
0x45: {  	_ =	swait.ge [sflag:s0], $0x1900  }
0x46: {  	[sflag:s0] =	ssyncset.done $0x0  }
0x47: {  	s30 =	simm.s32 $0x0;
	[sflag:s0] =	ssyncadd.s32 $0xFFFFE700  }
0x48: {  	v0 =	vld [tilespmem:s30+$0x8F70]  }
0x49: {  	v1 =	vld [tilespmem:s30+$0x300]  }
0x4a: {  	v2 =	vld [tilespmem:s30+$0x340]  }
0x4b: {  	v3 =	vld [tilespmem:s30+$0x3B00]  }
0x4c: {  	v4 =	vld [tilespmem:s30+$0x3B40]  }
0x4d: {  	v5 =	vld [tilespmem:s30+$0x7300];
	[tilespmem:s30+$0x16F30] =	vst v0  }
0x4e: {  	v6 =	vld [tilespmem:s30+$0x8F60];
	[tilespmem:s30+$0xAB40] =	vst v1  }
0x4f: {  	v0 =	vld [tilespmem:s30+$0x7340];
	[tilespmem:s30+$0xE300] =	vst v2  }
0x50: {  	v1 =	vld [tilespmem:s30+$0x310];
	[tilespmem:s30+$0xE340] =	vst v3  }
0x51: {  	v2 =	vld [tilespmem:s30+$0x350];
	[tilespmem:s30+$0x11B00] =	vst v4  }
0x52: {  	v3 =	vld [tilespmem:s30+$0x3B10];
	[tilespmem:s30+$0x11B40] =	vst v5  }
0x53: {  	v4 =	vld [tilespmem:s30+$0x3B50];
	[tilespmem:s30+$0x16F20] =	vst v6  }
0x54: {  	v5 =	vld [tilespmem:s30+$0x8F20];
	[tilespmem:s30+$0x15300] =	vst v0  }
0x55: {  	v0 =	vld [tilespmem:s30+$0x7310];
	[tilespmem:s30+$0xAB50] =	vst v1  }
0x56: {  	v1 =	vld [tilespmem:s30+$0x7350];
	[tilespmem:s30+$0xE310] =	vst v2  }
0x57: {  	v2 =	vld [tilespmem:s30+$0x320];
	[tilespmem:s30+$0xE350] =	vst v3  }
0x58: {  	v3 =	vld [tilespmem:s30+$0x360];
	[tilespmem:s30+$0x11B10] =	vst v4  }
0x59: {  	v4 =	vld [tilespmem:s30+$0x3B20];
	[tilespmem:s30+$0x13760] =	vst v5  }
0x5a: {  	[tilespmem:s30+$0x11B50] =	vst v0;
	v0 =	vld [tilespmem:s30+$0x3B60]  }
0x5b: {  	[tilespmem:s30+$0x15310] =	vst v1;
	v1 =	vld [tilespmem:s30+$0x7320]  }
0x5c: {  	[tilespmem:s30+$0xAB60] =	vst v2;
	v2 =	vld [tilespmem:s30+$0x7360]  }
0x5d: {  	[tilespmem:s30+$0xE320] =	vst v3;
	v3 =	vld [tilespmem:s30+$0x330]  }
0x5e: {  	[tilespmem:s30+$0xE360] =	vst v4;
	v4 =	vld [tilespmem:s30+$0x370]  }
0x5f: {  	[tilespmem:s30+$0x11B20] =	vst v0;
	v0 =	vld [tilespmem:s30+$0x3B30]  }
0x60: {  	[tilespmem:s30+$0x11B60] =	vst v1;
	v1 =	vld [tilespmem:s30+$0x3B70]  }
0x61: {  	[tilespmem:s30+$0x15320] =	vst v2;
	v2 =	vld [tilespmem:s30+$0x7330]  }
0x62: {  	[tilespmem:s30+$0xAB70] =	vst v3;
	v3 =	vld [tilespmem:s30+$0x7370]  }
0x63: {  	[tilespmem:s30+$0xE330] =	vst v4;
	v4 =	vld [tilespmem:s30+$0x1F00]  }
0x64: {  	[tilespmem:s30+$0xE370] =	vst v0;
	v0 =	vld [tilespmem:s30+$0x1F40]  }
0x65: {  	[tilespmem:s30+$0x11B30] =	vst v1;
	v1 =	vld [tilespmem:s30+$0x5700]  }
0x66: {  	[tilespmem:s30+$0x11B70] =	vst v2;
	v2 =	vld [tilespmem:s30+$0x5740]  }
0x67: {  	[tilespmem:s30+$0x15330] =	vst v3;
	v3 =	vld [tilespmem:s30+$0x8F00]  }
0x68: {  	[tilespmem:s30+$0xC740] =	vst v4;
	v4 =	vld [tilespmem:s30+$0x8F40]  }
0x69: {  	[tilespmem:s30+$0xFF00] =	vst v0;
	v0 =	vld [tilespmem:s30+$0x1F10]  }
0x6a: {  	[tilespmem:s30+$0xFF40] =	vst v1;
	v1 =	vld [tilespmem:s30+$0x1F50]  }
0x6b: {  	[tilespmem:s30+$0x13700] =	vst v2;
	v2 =	vld [tilespmem:s30+$0x5710]  }
0x6c: {  	[tilespmem:s30+$0x13740] =	vst v3;
	v3 =	vld [tilespmem:s30+$0x5750]  }
0x6d: {  	[tilespmem:s30+$0x16F00] =	vst v4;
	v4 =	vld [tilespmem:s30+$0x8F10]  }
0x6e: {  	[tilespmem:s30+$0xC750] =	vst v0;
	v0 =	vld [tilespmem:s30+$0x8F50]  }
0x6f: {  	[tilespmem:s30+$0xFF10] =	vst v1;
	v1 =	vld [tilespmem:s30+$0x1F20]  }
0x70: {  	[tilespmem:s30+$0xFF50] =	vst v2;
	v2 =	vld [tilespmem:s30+$0x1F60]  }
0x71: {  	[tilespmem:s30+$0x13710] =	vst v3;
	v3 =	vld [tilespmem:s30+$0x5720]  }
0x72: {  	[tilespmem:s30+$0x13750] =	vst v4;
	v4 =	vld [tilespmem:s30+$0x5760]  }
0x73: {  	[tilespmem:s30+$0x16F10] =	vst v0;
	v0 =	vld [tilespmem:s30+$0x1F30]  }
0x74: {  	[tilespmem:s30+$0xC760] =	vst v1;
	v1 =	vld [tilespmem:s30+$0x1F70]  }
0x75: {  	[tilespmem:s30+$0xFF20] =	vst v2;
	v2 =	vld [tilespmem:s30+$0x5730]  }
0x76: {  	[tilespmem:s30+$0xFF60] =	vst v3;
	v3 =	vld [tilespmem:s30+$0x5770]  }
0x77: {  	s31 =	simm.s32 $0x400;
	s22 =	simm.s32 $0x80;
	[tilespmem:s30+$0x13720] =	vst v4;
	v4 =	vld [tilespmem:s30+$0x8F30]  }
.LBB2_3:
0x78: {  	p0 =	sne.s32 s31, $0x6200;
	v5 =	vld [tilespmem:s22+$0x8F70];
	[tilespmem:s30+$0xC770] =	vst v0  }
0x79: {  	v0 =	vld [tilespmem:s22+$0x300];
	[tilespmem:s30+$0xFF30] =	vst v1  }
0x7a: {  	v1 =	vld [tilespmem:s22+$0x340];
	[tilespmem:s30+$0xFF70] =	vst v2  }
0x7b: {  	v2 =	vld [tilespmem:s22+$0x3B00];
	[tilespmem:s30+$0x13730] =	vst v3  }
0x7c: {  	v3 =	vld [tilespmem:s22+$0x3B40];
	[tilespmem:s30+$0x13770] =	vst v4;
	s30 =	smov.u32 s22  }
0x7d: {  	v4 =	vld [tilespmem:s30+$0x7300];
	[tilespmem:s30+$0x16F30] =	vst v5  }
0x7e: {  	[tilespmem:s30+$0xAB40] =	vst v0;
	v0 =	vld [tilespmem:s30+$0x7340]  }
0x7f: {  	[tilespmem:s30+$0xE300] =	vst v1;
	v1 =	vld [tilespmem:s30+$0x310]  }
0x80: {  	[tilespmem:s30+$0xE340] =	vst v2;
	v2 =	vld [tilespmem:s30+$0x350]  }
0x81: {  	[tilespmem:s30+$0x11B00] =	vst v3;
	v3 =	vld [tilespmem:s30+$0x3B10]  }
0x82: {  	[tilespmem:s30+$0x11B40] =	vst v4;
	v4 =	vld [tilespmem:s30+$0x3B50]  }
0x83: {  	[tilespmem:s30+$0x15300] =	vst v0;
	v0 =	vld [tilespmem:s30+$0x7310]  }
0x84: {  	[tilespmem:s30+$0xAB50] =	vst v1;
	v1 =	vld [tilespmem:s30+$0x7350]  }
0x85: {  	[tilespmem:s30+$0xE310] =	vst v2;
	v2 =	vld [tilespmem:s30+$0x320]  }
0x86: {  	[tilespmem:s30+$0xE350] =	vst v3;
	v3 =	vld [tilespmem:s30+$0x360]  }
0x87: {  	[tilespmem:s30+$0x11B10] =	vst v4;
	v4 =	vld [tilespmem:s30+$0x3B20]  }
0x88: {  	[tilespmem:s30+$0x11B50] =	vst v0;
	v0 =	vld [tilespmem:s30+$0x3B60]  }
0x89: {  	[tilespmem:s30+$0x15310] =	vst v1;
	v1 =	vld [tilespmem:s30+$0x7320]  }
0x8a: {  	[tilespmem:s30+$0xAB60] =	vst v2;
	v2 =	vld [tilespmem:s30+$0x7360]  }
0x8b: {  	[tilespmem:s30+$0xE320] =	vst v3;
	v3 =	vld [tilespmem:s30+$0x330]  }
0x8c: {  	[tilespmem:s30+$0xE360] =	vst v4;
	v4 =	vld [tilespmem:s30+$0x370]  }
0x8d: {  	[tilespmem:s30+$0x11B20] =	vst v0;
	v0 =	vld [tilespmem:s30+$0x3B30]  }
0x8e: {  	[tilespmem:s30+$0x11B60] =	vst v1;
	v1 =	vld [tilespmem:s30+$0x3B70]  }
0x8f: {  	[tilespmem:s30+$0x15320] =	vst v2;
	v2 =	vld [tilespmem:s30+$0x7330]  }
0x90: {  	[tilespmem:s30+$0xAB70] =	vst v3;
	v3 =	vld [tilespmem:s30+$0x7370]  }
0x91: {  	[tilespmem:s30+$0xE330] =	vst v4;
	v4 =	vld [tilespmem:s30+$0x1F00]  }
0x92: {  	[tilespmem:s30+$0xE370] =	vst v0;
	v0 =	vld [tilespmem:s30+$0x1F40]  }
0x93: {  	[tilespmem:s30+$0x11B30] =	vst v1;
	v1 =	vld [tilespmem:s30+$0x5700]  }
0x94: {  	[tilespmem:s30+$0x11B70] =	vst v2;
	v2 =	vld [tilespmem:s30+$0x5740]  }
0x95: {  	[tilespmem:s30+$0x15330] =	vst v3;
	v3 =	vld [tilespmem:s30+$0x8F00]  }
0x96: {  	[tilespmem:s30+$0xC740] =	vst v4;
	v4 =	vld [tilespmem:s30+$0x8F40]  }
0x97: {  	[tilespmem:s30+$0xFF00] =	vst v0;
	v0 =	vld [tilespmem:s30+$0x1F10]  }
0x98: {  	[tilespmem:s30+$0xFF40] =	vst v1;
	v1 =	vld [tilespmem:s30+$0x1F50]  }
0x99: {  	[tilespmem:s30+$0x13700] =	vst v2;
	v2 =	vld [tilespmem:s30+$0x5710]  }
0x9a: {  	[tilespmem:s30+$0x13740] =	vst v3;
	v3 =	vld [tilespmem:s30+$0x5750]  }
0x9b: {  	[tilespmem:s30+$0x16F00] =	vst v4;
	v4 =	vld [tilespmem:s30+$0x8F10]  }
0x9c: {  	[tilespmem:s30+$0xC750] =	vst v0;
	v0 =	vld [tilespmem:s30+$0x8F50]  }
0x9d: {  	[tilespmem:s30+$0xFF10] =	vst v1;
	v1 =	vld [tilespmem:s30+$0x1F20]  }
0x9e: {  	[tilespmem:s30+$0xFF50] =	vst v2;
	v2 =	vld [tilespmem:s30+$0x1F60]  }
0x9f: {  	[tilespmem:s30+$0x13710] =	vst v3;
	v3 =	vld [tilespmem:s30+$0x5720]  }
0xa0: {  	[tilespmem:s30+$0x13750] =	vst v4;
	v4 =	vld [tilespmem:s30+$0x5760]  }
0xa1: {  	[tilespmem:s30+$0x16F10] =	vst v0;
	v5 =	vld [tilespmem:s30+$0x8F20]  }
0xa2: {  	[tilespmem:s30+$0xC760] =	vst v1;
	v6 =	vld [tilespmem:s30+$0x8F60]  }
.Ltmp0:
0xa3: {  	[tilespmem:s30+$0xFF20] =	vst v2;
	v0 =	vld [tilespmem:s30+$0x1F30];
	(pc) =	sbr.rel @p0 .LBB2_3-.Ltmp0, $4  }
0xa4: {  	[tilespmem:s30+$0xFF60] =	vst v3;
	v1 =	vld [tilespmem:s30+$0x1F70]  }
0xa5: {  	[tilespmem:s30+$0x13720] =	vst v4;
	v2 =	vld [tilespmem:s30+$0x5730]  }
0xa6: {  	[tilespmem:s30+$0x13760] =	vst v5;
	v3 =	vld [tilespmem:s30+$0x5770]  }
0xa7: {  	s22 =	sshra.s32 s31, $0x2;
	s31 =	sadd.s32 $0x200, s31;
	[tilespmem:s30+$0x16F20] =	vst v6;
	v4 =	vld [tilespmem:s30+$0x8F30]  }
0xa8: {  	v5 =	vld [tilespmem:s22+$0x8F70];
	[tilespmem:s30+$0xC770] =	vst v0  }
0xa9: {  	v0 =	vld [tilespmem:s22+$0x300];
	[tilespmem:s30+$0xFF30] =	vst v1  }
0xaa: {  	v1 =	vld [tilespmem:s22+$0x340];
	[tilespmem:s30+$0xFF70] =	vst v2  }
0xab: {  	v2 =	vld [tilespmem:s22+$0x3B00];
	[tilespmem:s30+$0x13730] =	vst v3  }
0xac: {  	v3 =	vld [tilespmem:s22+$0x3B40];
	[tilespmem:s30+$0x13770] =	vst v4  }
0xad: {  	v4 =	vld [tilespmem:s22+$0x7300];
	[tilespmem:s22+$0x16F30] =	vst v5  }
0xae: {  	v22 =	vld [tilespmem:s22+$0x7340];
	[tilespmem:s22+$0xAB40] =	vst v0  }
0xaf: {  	v23 =	vld [tilespmem:s22+$0x310];
	[tilespmem:s22+$0xE300] =	vst v1  }
0xb0: {  	v24 =	vld [tilespmem:s22+$0x350];
	[tilespmem:s22+$0xE340] =	vst v2  }
0xb1: {  	v25 =	vld [tilespmem:s22+$0x3B10];
	[tilespmem:s22+$0x11B00] =	vst v3  }
0xb2: {  	v26 =	vld [tilespmem:s22+$0x3B50];
	[tilespmem:s22+$0x11B40] =	vst v4  }
0xb3: {  	v27 =	vld [tilespmem:s22+$0x7310];
	[tilespmem:s22+$0x15300] =	vst v22  }
0xb4: {  	v28 =	vld [tilespmem:s22+$0x7350];
	[tilespmem:s22+$0xAB50] =	vst v23  }
0xb5: {  	v29 =	vld [tilespmem:s22+$0x320];
	[tilespmem:s22+$0xE310] =	vst v24  }
0xb6: {  	v30 =	vld [tilespmem:s22+$0x360];
	[tilespmem:s22+$0xE350] =	vst v25  }
0xb7: {  	v31 =	vld [tilespmem:s22+$0x3B20];
	[tilespmem:s22+$0x11B10] =	vst v26  }
0xb8: {  	v32 =	vld [tilespmem:s22+$0x3B60];
	[tilespmem:s22+$0x11B50] =	vst v27  }
0xb9: {  	v33 =	vld [tilespmem:s22+$0x7320];
	[tilespmem:s22+$0x15310] =	vst v28  }
0xba: {  	v34 =	vld [tilespmem:s22+$0x7360];
	[tilespmem:s22+$0xAB60] =	vst v29  }
0xbb: {  	v35 =	vld [tilespmem:s22+$0x330];
	[tilespmem:s22+$0xE320] =	vst v30  }
0xbc: {  	v36 =	vld [tilespmem:s22+$0x370];
	[tilespmem:s22+$0xE360] =	vst v31  }
0xbd: {  	v37 =	vld [tilespmem:s22+$0x3B30];
	[tilespmem:s22+$0x11B20] =	vst v32  }
0xbe: {  	v38 =	vld [tilespmem:s22+$0x3B70];
	[tilespmem:s22+$0x11B60] =	vst v33  }
0xbf: {  	v39 =	vld [tilespmem:s22+$0x7330];
	[tilespmem:s22+$0x15320] =	vst v34  }
0xc0: {  	v40 =	vld [tilespmem:s22+$0x7370];
	[tilespmem:s22+$0xAB70] =	vst v35  }
0xc1: {  	v41 =	vld [tilespmem:s22+$0x1F00];
	[tilespmem:s22+$0xE330] =	vst v36  }
0xc2: {  	v42 =	vld [tilespmem:s22+$0x1F40];
	[tilespmem:s22+$0xE370] =	vst v37  }
0xc3: {  	v43 =	vld [tilespmem:s22+$0x5700];
	[tilespmem:s22+$0x11B30] =	vst v38  }
0xc4: {  	v44 =	vld [tilespmem:s22+$0x5740];
	[tilespmem:s22+$0x11B70] =	vst v39  }
0xc5: {  	v45 =	vld [tilespmem:s22+$0x8F00];
	[tilespmem:s22+$0x15330] =	vst v40  }
0xc6: {  	v46 =	vld [tilespmem:s22+$0x8F40];
	[tilespmem:s22+$0xC740] =	vst v41  }
0xc7: {  	v47 =	vld [tilespmem:s22+$0x1F10];
	[tilespmem:s22+$0xFF00] =	vst v42  }
0xc8: {  	v48 =	vld [tilespmem:s22+$0x1F50];
	[tilespmem:s22+$0xFF40] =	vst v43  }
0xc9: {  	v49 =	vld [tilespmem:s22+$0x5710];
	[tilespmem:s22+$0x13700] =	vst v44  }
0xca: {  	v50 =	vld [tilespmem:s22+$0x5750];
	[tilespmem:s22+$0x13740] =	vst v45  }
0xcb: {  	v51 =	vld [tilespmem:s22+$0x8F10];
	[tilespmem:s22+$0x16F00] =	vst v46  }
0xcc: {  	v52 =	vld [tilespmem:s22+$0x8F50];
	[tilespmem:s22+$0xC750] =	vst v47  }
0xcd: {  	v53 =	vld [tilespmem:s22+$0x1F20];
	[tilespmem:s22+$0xFF10] =	vst v48  }
0xce: {  	v54 =	vld [tilespmem:s22+$0x1F60];
	[tilespmem:s22+$0xFF50] =	vst v49  }
0xcf: {  	v55 =	vld [tilespmem:s22+$0x5720];
	[tilespmem:s22+$0x13710] =	vst v50  }
0xd0: {  	v56 =	vld [tilespmem:s22+$0x5760];
	[tilespmem:s22+$0x13750] =	vst v51  }
0xd1: {  	v57 =	vld [tilespmem:s22+$0x8F20];
	[tilespmem:s22+$0x16F10] =	vst v52  }
0xd2: {  	v58 =	vld [tilespmem:s22+$0x8F60];
	[tilespmem:s22+$0xC760] =	vst v53  }
0xd3: {  	v59 =	vld [tilespmem:s22+$0x1F30];
	[tilespmem:s22+$0xFF20] =	vst v54  }
0xd4: {  	v60 =	vld [tilespmem:s22+$0x1F70];
	[tilespmem:s22+$0xFF60] =	vst v55  }
0xd5: {  	v61 =	vld [tilespmem:s22+$0x5730];
	[tilespmem:s22+$0x13720] =	vst v56  }
0xd6: {  	v62 =	vld [tilespmem:s22+$0x5770];
	[tilespmem:s22+$0x13760] =	vst v57  }
0xd7: {  	v63 =	vld [tilespmem:s22+$0x8F30];
	[tilespmem:s22+$0x16F20] =	vst v58  }
0xd8: {  	[tilespmem:s22+$0xC770] =	vst v59  }
0xd9: {  	[tilespmem:s22+$0xFF30] =	vst v60  }
0xda: {  	s29 =	smul.u32 $0xE00, s29;
	[tilespmem:s22+$0xFF70] =	vst v61  }
0xdb: {  	[tilespmem:s22+$0x13730] =	vst v62  }
0xdc: {  	[tilespmem:s22+$0x13770] =	vst v63;
	s22 =	sadd.s32 s10, s29  }
0xdd: {  	[hbm4b:s22+s7] =	stream.strided.scatter [tilespmem:s19], [sflag:$0x2], $0x1800, s15, s7, $0x38;
	[tilespmem:$0x18B00] =	vst v63  }
0xde: {  	s31 =	sadd.s32 $0xE00, s22  }
0xdf: {  	[hbm4b:s31+s7] =	stream.strided.scatter [tilespmem:s20], [sflag:$0x2], $0x1800, s15, s7, $0x38;
	[tilespmem:$0x18B00] =	vst v63  }
0xe0: {  	s30 =	sadd.s32 $0xC00, s22;
	s31 =	simm.s32 $0xC300  }
0xe1: {  	[hbm4b:s30+s4] =	stream.linear.scatter [tilespmem:s31], [sflag:$0x2], $0x100, $0x38;
	[tilespmem:$0x18B00] =	vst v63  }
0xe2: {  	s22 =	sadd.s32 $0x1A00, s22;
	s31 =	simm.s32 $0xDF00  }
0xe3: {  	[hbm4b:s22+s4] =	stream.linear.scatter [tilespmem:s31], [sflag:$0x2], $0x100, $0x38;
	[tilespmem:$0x18B00] =	vst v63  }
0xe4: {  	_ =	swait.ge [sflag:s16], $0x3200  }
0xe5: {  	[sflag:s16] =	ssyncset.done $0x0  }
0xe6: {  	s22 =	sadd.s32 s29, s12;
	s31 =	simm.s32 $0xE300;
	[sflag:s16] =	ssyncadd.s32 $0xFFFFCE00  }
0xe7: {  	[hbm4b:s22+s7] =	stream.strided.scatter [tilespmem:s31], [sflag:$0x2], $0x1800, s15, s7, $0x38;
	[tilespmem:$0x18B00] =	vst v63  }
0xe8: {  	s30 =	sadd.s32 $0xE00, s22;
	s31 =	simm.s32 $0xFF00  }
0xe9: {  	[hbm4b:s30+s7] =	stream.strided.scatter [tilespmem:s31], [sflag:$0x2], $0x1800, s15, s7, $0x38;
	[tilespmem:$0x18B00] =	vst v63  }
0xea: {  	s30 =	sadd.s32 $0xC00, s22;
	s31 =	simm.s32 $0xFB00  }
0xeb: {  	[hbm4b:s30+s4] =	stream.linear.scatter [tilespmem:s31], [sflag:$0x2], $0x100, $0x38;
	[tilespmem:$0x18B00] =	vst v63  }
0xec: {  	s22 =	sadd.s32 $0x1A00, s22;
	s31 =	simm.s32 $0x11700  }
0xed: {  	[hbm4b:s22+s4] =	stream.linear.scatter [tilespmem:s31], [sflag:$0x2], $0x100, $0x38;
	[tilespmem:$0x18B00] =	vst v63  }
0xee: {  	_ =	swait.ge [sflag:s16], $0x3200  }
0xef: {  	[sflag:s16] =	ssyncset.done $0x0  }
0xf0: {  	s22 =	sadd.s32 s29, s13;
	s31 =	simm.s32 $0x11B00;
	[sflag:s16] =	ssyncadd.s32 $0xFFFFCE00  }
0xf1: {  	[hbm4b:s22+s7] =	stream.strided.scatter [tilespmem:s31], [sflag:$0x2], $0x1800, s15, s7, $0x38;
	[tilespmem:$0x18B00] =	vst v63  }
0xf2: {  	s30 =	sadd.s32 $0xE00, s22;
	s31 =	simm.s32 $0x13700  }
0xf3: {  	[hbm4b:s30+s7] =	stream.strided.scatter [tilespmem:s31], [sflag:$0x2], $0x1800, s15, s7, $0x38;
	[tilespmem:$0x18B00] =	vst v63  }
0xf4: {  	s30 =	sadd.s32 $0xC00, s22;
	s31 =	simm.s32 $0x13300  }
0xf5: {  	[hbm4b:s30+s4] =	stream.linear.scatter [tilespmem:s31], [sflag:$0x2], $0x100, $0x38;
	[tilespmem:$0x18B00] =	vst v63  }
0xf6: {  	s22 =	sadd.s32 $0x1A00, s22;
	s31 =	simm.s32 $0x14F00  }
0xf7: {  	[hbm4b:s22+s4] =	stream.linear.scatter [tilespmem:s31], [sflag:$0x2], $0x100, $0x38;
	[tilespmem:$0x18B00] =	vst v63  }
0xf8: {  	_ =	swait.ge [sflag:s16], $0x3200  }
0xf9: {  	[sflag:s16] =	ssyncset.done $0x0  }
0xfa: {  	s30 =	sadd.s32 s29, s14;
	[sflag:s16] =	ssyncadd.s32 $0xFFFFCE00  }
0xfb: {  	[hbm4b:s30+s7] =	stream.strided.scatter [tilespmem:s23], [sflag:$0x2], $0x1800, s15, s7, $0x38;
	[tilespmem:$0x18B00] =	vst v63  }
0xfc: {  	s28 =	sadd.s32 $0x1, s28;
	s29 =	sadd.s32 $0xE00, s30  }
0xfd: {  	[hbm4b:s29+s7] =	stream.strided.scatter [tilespmem:s24], [sflag:$0x2], $0x1800, s15, s7, $0x38;
	[tilespmem:$0x18B00] =	vst v63  }
0xfe: {  	p0 =	sne.s32 s28, $0x100;
	s31 =	sadd.s32 $0xC00, s30  }
0xff: {  	[hbm4b:s31+s4] =	stream.linear.scatter [tilespmem:s25], [sflag:$0x2], $0x100, $0x38;
	[tilespmem:$0x18B00] =	vst v63  }
.Ltmp1:
0x100: {  	s22 =	sadd.s32 $0x1A00, s30;
	(pc) =	sbr.rel @p0 .LBB2_2-.Ltmp1, $4  }
0x101: {  	[hbm4b:s22+s4] =	stream.linear.scatter [tilespmem:s26], [sflag:$0x2], $0x100, $0x38;
	[tilespmem:$0x18B00] =	vst v63  }
0x102: {  	_ =	swait.ge [sflag:s16], $0x3200  }
0x103: {  	[sflag:s16] =	ssyncset.done $0x0  }
0x104: {  	[sflag:s16] =	ssyncadd.s32 $0xFFFFCE00  }
0x105: {  	s28 =	rddreg [dreg:$0x6]  }
0x106: {  	s22 =	rddreg [dreg:$0x5];
	s28 =	sadd.s32 $0x1, s28  }
0x107: {  	p0 =	sne.s32 s28, s22  }
.Ltmp2:
0x108: {  	_ = 	snop;
	(pc) =	sbr.rel @p0 .LBB2_1-.Ltmp2, $1  }
0x109: {  	_ =	sdelay $0x3  }
0x10a: {  	_ =	sfence.sel $0x180000  }
0x10b: {  	[bflag:$0x0] =	sbarrier.arrive $0xFFFF  }
0x10c: {  	_ =	strace $0x90000047  }
0x10d: {  	s0 =	stileid.u32;
	[bflag:$0x2] =	sbarrier.arrive $0xFFFF  }
0x10e: {  	p0 =	sne.s32 s0, $0x0;
	s0 =	rddreg [dreg:$0x4]  }
0x10f: {  	s0 =	sadd.s32 @!p0 $0x100000, s0  }
0x110: {  	[sflag:s0] =	ssyncadd.tile.s32 @!p0 $0x1;
	_ =	shalt  }
.Lfunc_end2:
_tile_overlayer_lowered:
.L_overlay_start_2:
0x111: {  	(tag) =	ssettag $0x2  }
0x112: {  	s0 =	rddreg [dreg:$0x0];
	s2 =	stileid.u32  }
0x113: {  	s1 =	rddreg [dreg:$0x1];
	p0 =	sne.s32 s2, $0x0  }
0x114: {  	s3 =	rddreg [dreg:$0x2];
	[bflag:$0x3] =	sbarrier.arrive $0xFFFF;
	s2 =	simm.s32 @!p0 $0x1C02  }
0x115: {  	[timem:s3], [sflag:s2] =	dma.local @!p0 [hbm:s0], s1  }
0x116: {  	s0 =	simm.s32 @!p0 $0x2  }
0x117: {  	_ =	swait.ge @!p0 [sflag:s0], s1  }
0x118: {  	s1 =	ssub.s32 @!p0 $0x0, s1;
	[sflag:s0] =	ssyncset.done @!p0 $0x0  }
0x119: {  	[sflag:s0] =	ssyncadd.s32 @!p0 s1  }
0x11a: {  	[bflag:$0x3] =	sbarrier.arrive $0xFFFF  }
0x11b: {  	_ =	shalt  }

</sc_bundles>
